<compile_context>
chip_gen: v7x
topology: tpu7x:2x2x1
jax: 0.10.2.dev20260603
libtpu: 0.0.44.dev20260713+nightly
codegen_flags: <defaults>
</compile_context>

<pallas_src>
import functools

import jax
import jax.numpy as jnp
from jax import lax
from jax.experimental import pallas as pl
from jax.experimental.pallas import tpu as pltpu
from jax.experimental.pallas import tpu_sc as plsc

D = 32
B = 16384

NC = 2
NS = 16
NW = NC * NS
BPW = B // NW


RING = 4
CHUNK = 128


def _body(uidx_hbm, iidx_hbm, upw, ucw, ipw, icw,
          rating_out, up_out, uc_out, ip_out, ic_out,
          uidx_v, iidx_v,
          wup0, wuc0, wip0, wic0, wup1, wuc1, wip1, wic1,
          wup2, wuc2, wip2, wic2, wup3, wuc3, wip3, wic3,
          sup, suc, sip, sic, slg,
          sem0, sem1, sem2, sem3, osem):
    wid = lax.axis_index("s") * NC + lax.axis_index("c")
    base = pl.multiple_of(wid * BPW, BPW)

    pltpu.sync_copy(uidx_hbm.at[pl.ds(base, BPW)], uidx_v.at[pl.ds(0, BPW)])
    pltpu.sync_copy(iidx_hbm.at[pl.ds(base, BPW)], iidx_v.at[pl.ds(0, BPW)])

    wins = ((wup0, wuc0, wip0, wic0), (wup1, wuc1, wip1, wic1),
            (wup2, wuc2, wip2, wic2), (wup3, wuc3, wip3, wic3))
    sems = (sem0, sem1, sem2, sem3)
    d0 = lax.iota(jnp.int32, 16)
    d1 = d0 + 16
    lane0 = d0 == 0

    def fetch(j, p):
        jc = jnp.minimum(j, BPW - 1)
        ru = uidx_v[pl.ds(jc, 16)][0]
        ri = iidx_v[pl.ds(jc, 16)][0]
        wu = pl.multiple_of(lax.shift_left(lax.shift_right_logical(ru, 7), 7), 128)
        wi = pl.multiple_of(lax.shift_left(lax.shift_right_logical(ri, 7), 7), 128)
        wu_sl = pl.ds(wu, 128)
        wi_sl = pl.ds(wi, 128)
        w = wins[p]
        pltpu.make_async_copy(upw.at[:, wu_sl], w[0], sems[p]).start()
        pltpu.make_async_copy(ucw.at[:, wu_sl], w[1], sems[p]).start()
        pltpu.make_async_copy(ipw.at[:, wi_sl], w[2], sems[p]).start()
        pltpu.make_async_copy(icw.at[:, wi_sl], w[3], sems[p]).start()

    def drain(p):
        w = wins[p]
        head = pl.ds(0, 128)
        pltpu.make_async_copy(upw.at[:, head], w[0], sems[p]).wait()
        pltpu.make_async_copy(ucw.at[:, head], w[1], sems[p]).wait()
        pltpu.make_async_copy(ipw.at[:, head], w[2], sems[p]).wait()
        pltpu.make_async_copy(icw.at[:, head], w[3], sems[p]).wait()

    def extract(j, p):
        ru = uidx_v[pl.ds(j, 16)][0]
        ri = iidx_v[pl.ds(j, 16)][0]
        cu = jnp.broadcast_to(ru & 127, (16,))
        ci = jnp.broadcast_to(ri & 127, (16,))
        w = wins[p]
        up0 = plsc.load_gather(w[0], [d0, cu])
        up1 = plsc.load_gather(w[0], [d1, cu])
        uc0 = plsc.load_gather(w[1], [d0, cu])
        uc1 = plsc.load_gather(w[1], [d1, cu])
        ip0 = plsc.load_gather(w[2], [d0, ci])
        ip1 = plsc.load_gather(w[2], [d1, ci])
        ic0 = plsc.load_gather(w[3], [d0, ci])
        ic1 = plsc.load_gather(w[3], [d1, ci])
        off = pl.multiple_of((j & (2 * CHUNK - 1)) * D, D)
        off2 = pl.multiple_of((j & (2 * CHUNK - 1)) * D + 16, 16)
        sup[pl.ds(off, 16)] = up0
        sup[pl.ds(off2, 16)] = up1
        suc[pl.ds(off, 16)] = uc0
        suc[pl.ds(off2, 16)] = uc1
        sip[pl.ds(off, 16)] = ip0
        sip[pl.ds(off2, 16)] = ip1
        sic[pl.ds(off, 16)] = ic0
        sic[pl.ds(off2, 16)] = ic1
        s = jnp.sum((up0 + uc0) * (ip0 + ic0) + (up1 + uc1) * (ip1 + ic1))
        plsc.store_scatter(slg, [jnp.broadcast_to(j, (16,))],
                           jnp.broadcast_to(s, (16,)), mask=lane0)

    def odrain():
        head = pl.ds(0, CHUNK * D)
        pltpu.make_async_copy(up_out.at[head], sup.at[head], osem).wait()
        pltpu.make_async_copy(uc_out.at[head], suc.at[head], osem).wait()
        pltpu.make_async_copy(ip_out.at[head], sip.at[head], osem).wait()
        pltpu.make_async_copy(ic_out.at[head], sic.at[head], osem).wait()

    def flush(c):
        dst = pl.multiple_of(base * D + c * CHUNK * D, CHUNK * D)
        dsl = pl.ds(dst, CHUNK * D)
        half = pl.ds((c & 1) * CHUNK * D, CHUNK * D)
        pltpu.async_copy(sup.at[half], up_out.at[dsl], osem)
        pltpu.async_copy(suc.at[half], uc_out.at[dsl], osem)
        pltpu.async_copy(sip.at[half], ip_out.at[dsl], osem)
        pltpu.async_copy(sic.at[half], ic_out.at[dsl], osem)

    for p in range(RING):
        fetch(p, p)

    def body(k, carry):
        @pl.when(((k & 31) == 0) & (k >= 64))
        def _():
            odrain()

        for q in range(RING):
            j = k * RING + q
            drain(q)
            extract(j, q)
            fetch(j + RING, q)

        @pl.when((k & 31) == 31)
        def _():
            flush(k >> 5)

        return carry

    lax.fori_loop(0, BPW // RING, body, 0)
    for p in range(RING):
        drain(p)
    odrain()
    odrain()

    def sig_body(g, carry):
        sl = pl.ds(pl.multiple_of(g * 16, 16), 16)
        x = slg[sl]
        slg[sl] = 1.0 / (1.0 + jnp.exp(-x))
        return carry

    lax.fori_loop(0, BPW // 16, sig_body, 0)

    pltpu.sync_copy(slg, rating_out.at[pl.ds(base, BPW)])


_fed_dad = functools.partial(
    pl.kernel,
    out_type=(
        jax.ShapeDtypeStruct((B,), jnp.float32),
        jax.ShapeDtypeStruct((B * D,), jnp.float32),
        jax.ShapeDtypeStruct((B * D,), jnp.float32),
        jax.ShapeDtypeStruct((B * D,), jnp.float32),
        jax.ShapeDtypeStruct((B * D,), jnp.float32),
    ),
    scratch_types=[
        pltpu.VMEM((BPW + 16,), jnp.int32),
        pltpu.VMEM((BPW + 16,), jnp.int32),
    ] + [pltpu.VMEM((D, 128), jnp.float32)] * (4 * RING) + [
        pltpu.VMEM((2 * CHUNK * D,), jnp.float32),
        pltpu.VMEM((2 * CHUNK * D,), jnp.float32),
        pltpu.VMEM((2 * CHUNK * D,), jnp.float32),
        pltpu.VMEM((2 * CHUNK * D,), jnp.float32),
        pltpu.VMEM((BPW,), jnp.float32),
    ] + [pltpu.SemaphoreType.DMA] * (RING + 1),
    mesh=plsc.VectorSubcoreMesh(core_axis_name="c", subcore_axis_name="s"),
    compiler_params=pltpu.CompilerParams(
        needs_layout_passes=False, use_tc_tiling_on_sc=True),
)(_body)


def kernel(user_indices, item_indices, user_personality_w, user_commonality_w,
           item_personality_w, item_commonality_w):
    rating, up, uc, ip, ic = _fed_dad(
        user_indices.astype(jnp.int32), item_indices.astype(jnp.int32),
        user_personality_w.T, user_commonality_w.T,
        item_personality_w.T, item_commonality_w.T)
    return (rating.reshape(B, 1), up.reshape(B, D), uc.reshape(B, D),
            ip.reshape(B, D), ic.reshape(B, D))

# --- scband reference (transcript-rebuilt; emitter-appended) ---
"""Pipeline reference for scband-fed-dad-48979807044051 (READ-ONLY COPY).

The authoritative reference and input builder live on the scoring server;
editing this copy changes nothing except your own understanding.
"""

import jax, jax.numpy as jnp
import numpy as np

NUM_USERS = 1000000
NUM_ITEMS = 1000000
LATENT_DIM = 32
BATCH = 16384


def setup_inputs(seed: int = 0) -> dict:
    key = jax.random.key(seed)
    k0, k1, k2, k3, k4, k5 = jax.random.split(key, 6)
    user_indices = jax.random.randint(k0, (BATCH,), 0, NUM_USERS, dtype=jnp.int64 if jax.config.jax_enable_x64 else jnp.int32)
    item_indices = jax.random.randint(k1, (BATCH,), 0, NUM_ITEMS, dtype=jnp.int64 if jax.config.jax_enable_x64 else jnp.int32)
    user_personality_w = jax.random.normal(k2, (NUM_USERS, LATENT_DIM), dtype=jnp.float32)
    user_commonality_w = jax.random.normal(k3, (NUM_USERS, LATENT_DIM), dtype=jnp.float32)
    item_personality_w = jax.random.normal(k4, (NUM_ITEMS, LATENT_DIM), dtype=jnp.float32)
    item_commonality_w = jax.random.normal(k5, (NUM_ITEMS, LATENT_DIM), dtype=jnp.float32)
    return {
        "user_indices": user_indices,
        "item_indices": item_indices,
        "user_personality_w": user_personality_w,
        "user_commonality_w": user_commonality_w,
        "item_personality_w": item_personality_w,
        "item_commonality_w": item_commonality_w,
    }


def reference(user_indices, item_indices, user_personality_w, user_commonality_w, item_personality_w, item_commonality_w):
    user_personality = jnp.take(user_personality_w, user_indices, axis=0)
    user_commonality = jnp.take(user_commonality_w, user_indices, axis=0)
    item_personality = jnp.take(item_personality_w, item_indices, axis=0)
    item_commonality = jnp.take(item_commonality_w, item_indices, axis=0)
    user_embedding = user_personality + user_commonality
    item_embedding = item_personality + item_commonality
    logits = jnp.sum(user_embedding * item_embedding, axis=1, keepdims=True)
    rating = jax.nn.sigmoid(logits)
    return (rating, user_personality, user_commonality, item_personality, item_commonality)

if __name__ == "__main__":
    import jax
    _d = setup_inputs()
    print(jax.jit(kernel)(*tuple(_d.values())))

</pallas_src>

<mosaic_0001>
#map = affine_map<(d0, d1) -> (0)>
#map1 = affine_map<(d0, d1) -> (0, 0)>
module attributes {stable_mosaic.version = 14 : i64} {
  func.func @_body(%arg0: i32, %arg1: i32, %arg2: memref<16384xi32, #tpu.memory_space<hbm>>, %arg3: memref<16384xi32, #tpu.memory_space<hbm>>, %arg4: memref<32x1000000xf32, #tpu.memory_space<hbm>>, %arg5: memref<32x1000000xf32, #tpu.memory_space<hbm>>, %arg6: memref<32x1000000xf32, #tpu.memory_space<hbm>>, %arg7: memref<32x1000000xf32, #tpu.memory_space<hbm>>, %arg8: memref<16384xf32, #tpu.memory_space<hbm>>, %arg9: memref<524288xf32, #tpu.memory_space<hbm>>, %arg10: memref<524288xf32, #tpu.memory_space<hbm>>, %arg11: memref<524288xf32, #tpu.memory_space<hbm>>, %arg12: memref<524288xf32, #tpu.memory_space<hbm>>, %arg13: memref<528xi32, #tpu.memory_space<vmem>>, %arg14: memref<528xi32, #tpu.memory_space<vmem>>, %arg15: memref<32x128xf32, #tpu.memory_space<vmem>>, %arg16: memref<32x128xf32, #tpu.memory_space<vmem>>, %arg17: memref<32x128xf32, #tpu.memory_space<vmem>>, %arg18: memref<32x128xf32, #tpu.memory_space<vmem>>, %arg19: memref<32x128xf32, #tpu.memory_space<vmem>>, %arg20: memref<32x128xf32, #tpu.memory_space<vmem>>, %arg21: memref<32x128xf32, #tpu.memory_space<vmem>>, %arg22: memref<32x128xf32, #tpu.memory_space<vmem>>, %arg23: memref<32x128xf32, #tpu.memory_space<vmem>>, %arg24: memref<32x128xf32, #tpu.memory_space<vmem>>, %arg25: memref<32x128xf32, #tpu.memory_space<vmem>>, %arg26: memref<32x128xf32, #tpu.memory_space<vmem>>, %arg27: memref<32x128xf32, #tpu.memory_space<vmem>>, %arg28: memref<32x128xf32, #tpu.memory_space<vmem>>, %arg29: memref<32x128xf32, #tpu.memory_space<vmem>>, %arg30: memref<32x128xf32, #tpu.memory_space<vmem>>, %arg31: memref<8192xf32, #tpu.memory_space<vmem>>, %arg32: memref<8192xf32, #tpu.memory_space<vmem>>, %arg33: memref<8192xf32, #tpu.memory_space<vmem>>, %arg34: memref<8192xf32, #tpu.memory_space<vmem>>, %arg35: memref<512xf32, #tpu.memory_space<vmem>>, %arg36: memref<!tpu.dma_semaphore, #tpu.memory_space<semaphore_mem>>, %arg37: memref<!tpu.dma_semaphore, #tpu.memory_space<semaphore_mem>>, %arg38: memref<!tpu.dma_semaphore, #tpu.memory_space<semaphore_mem>>, %arg39: memref<!tpu.dma_semaphore, #tpu.memory_space<semaphore_mem>>, %arg40: memref<!tpu.dma_semaphore, #tpu.memory_space<semaphore_mem>>) attributes {dimension_semantics = [#tpu.dimension_semantics<core_parallel>, #tpu.dimension_semantics<subcore_parallel>], iteration_bounds = array<i64: 2, 16>, scalar_prefetch = 0 : i64, scratch_operands = 28 : i64, tpu.core_type = #tpu.core_type<sc_vector_subcore>, window_params = [{transform_indices = #map}, {transform_indices = #map}, {transform_indices = #map1}, {transform_indices = #map1}, {transform_indices = #map1}, {transform_indices = #map1}, {transform_indices = #map}, {transform_indices = #map}, {transform_indices = #map}, {transform_indices = #map}, {transform_indices = #map}]} {
    %mul3A = arith.constant 2 : i32
    %mul3A_0 = arith.muli %arg1, %mul3A : i32
    %add3A = arith.addi %mul3A_0, %arg0 : i32
    %mul3A_1 = arith.constant 512 : i32
    %mul3A_2 = arith.muli %add3A, %mul3A_1 : i32
    %multiple_of3A = tpu.assume_multiple %mul3A_2, 512 : i32
    "tpu.region"() ({
      %run_scoped3A = tpu.sem_alloc : memref<!tpu.dma_semaphore, #tpu.memory_space<semaphore_mem>>
      %dma_start3A_319 = arith.constant 0 : i32
      %dma_start3A_320 = tpu.memref_slice %arg13[%dma_start3A_319] : memref<528xi32, #tpu.memory_space<vmem>> -> memref<512xi32, #tpu.memory_space<vmem>>
      %dma_start3A_321 = tpu.memref_slice %arg2[%multiple_of3A] : memref<16384xi32, #tpu.memory_space<hbm>> -> memref<512xi32, #tpu.memory_space<hbm>>
      %dma_start3A_322 = arith.constant 0 : i32
      %dma_start3A_323 = tpu.memref_slice %arg13[%dma_start3A_322] : memref<528xi32, #tpu.memory_space<vmem>> -> memref<512xi32, #tpu.memory_space<vmem>>
      %dma_start3A_324 = tpu.memref_slice %arg2[%multiple_of3A] : memref<16384xi32, #tpu.memory_space<hbm>> -> memref<512xi32, #tpu.memory_space<hbm>>
      tpu.enqueue_dma source(%dma_start3A_324 : memref<512xi32, #tpu.memory_space<hbm>>) target(%dma_start3A_323 : memref<512xi32, #tpu.memory_space<vmem>>) target_semaphore(%run_scoped3A : memref<!tpu.dma_semaphore, #tpu.memory_space<semaphore_mem>>)
      %dma_wait3A_325 = arith.constant 0 : i32
      %dma_wait3A_326 = tpu.memref_slice %arg13[%dma_wait3A_325] : memref<528xi32, #tpu.memory_space<vmem>> -> memref<512xi32, #tpu.memory_space<vmem>>
      %dma_wait3A_327 = tpu.memref_slice %arg2[%multiple_of3A] : memref<16384xi32, #tpu.memory_space<hbm>> -> memref<512xi32, #tpu.memory_space<hbm>>
      %dma_wait3A_328 = arith.constant 0 : i32
      %dma_wait3A_329 = tpu.memref_slice %arg13[%dma_wait3A_328] : memref<528xi32, #tpu.memory_space<vmem>> -> memref<512xi32, #tpu.memory_space<vmem>>
      %dma_wait3A_330 = tpu.memref_slice %arg2[%multiple_of3A] : memref<16384xi32, #tpu.memory_space<hbm>> -> memref<512xi32, #tpu.memory_space<hbm>>
      tpu.wait_dma2 semaphore(%run_scoped3A : memref<!tpu.dma_semaphore, #tpu.memory_space<semaphore_mem>>) src(%dma_wait3A_330 : memref<512xi32, #tpu.memory_space<hbm>>) dst(%dma_wait3A_329 : memref<512xi32, #tpu.memory_space<vmem>>)
      tpu.yield
    }) : () -> ()
    "tpu.region"() ({
      %run_scoped3A = tpu.sem_alloc : memref<!tpu.dma_semaphore, #tpu.memory_space<semaphore_mem>>
      %dma_start3A_319 = arith.constant 0 : i32
      %dma_start3A_320 = tpu.memref_slice %arg14[%dma_start3A_319] : memref<528xi32, #tpu.memory_space<vmem>> -> memref<512xi32, #tpu.memory_space<vmem>>
      %dma_start3A_321 = tpu.memref_slice %arg3[%multiple_of3A] : memref<16384xi32, #tpu.memory_space<hbm>> -> memref<512xi32, #tpu.memory_space<hbm>>
      %dma_start3A_322 = arith.constant 0 : i32
      %dma_start3A_323 = tpu.memref_slice %arg14[%dma_start3A_322] : memref<528xi32, #tpu.memory_space<vmem>> -> memref<512xi32, #tpu.memory_space<vmem>>
      %dma_start3A_324 = tpu.memref_slice %arg3[%multiple_of3A] : memref<16384xi32, #tpu.memory_space<hbm>> -> memref<512xi32, #tpu.memory_space<hbm>>
      tpu.enqueue_dma source(%dma_start3A_324 : memref<512xi32, #tpu.memory_space<hbm>>) target(%dma_start3A_323 : memref<512xi32, #tpu.memory_space<vmem>>) target_semaphore(%run_scoped3A : memref<!tpu.dma_semaphore, #tpu.memory_space<semaphore_mem>>)
      %dma_wait3A_325 = arith.constant 0 : i32
      %dma_wait3A_326 = tpu.memref_slice %arg14[%dma_wait3A_325] : memref<528xi32, #tpu.memory_space<vmem>> -> memref<512xi32, #tpu.memory_space<vmem>>
      %dma_wait3A_327 = tpu.memref_slice %arg3[%multiple_of3A] : memref<16384xi32, #tpu.memory_space<hbm>> -> memref<512xi32, #tpu.memory_space<hbm>>
      %dma_wait3A_328 = arith.constant 0 : i32
      %dma_wait3A_329 = tpu.memref_slice %arg14[%dma_wait3A_328] : memref<528xi32, #tpu.memory_space<vmem>> -> memref<512xi32, #tpu.memory_space<vmem>>
      %dma_wait3A_330 = tpu.memref_slice %arg3[%multiple_of3A] : memref<16384xi32, #tpu.memory_space<hbm>> -> memref<512xi32, #tpu.memory_space<hbm>>
      tpu.wait_dma2 semaphore(%run_scoped3A : memref<!tpu.dma_semaphore, #tpu.memory_space<semaphore_mem>>) src(%dma_wait3A_330 : memref<512xi32, #tpu.memory_space<hbm>>) dst(%dma_wait3A_329 : memref<512xi32, #tpu.memory_space<vmem>>)
      tpu.yield
    }) : () -> ()
    %iota3A = tpu.iota {dimensions = array<i32: 0>} : vector<16xi32>
    %add3A_3 = arith.constant 16 : i32
    %add3A_4 = vector.broadcast %add3A_3 : i32 to vector<16xi32>
    %add3A_5 = arith.addi %iota3A, %add3A_4 : vector<16xi32>
    %eq3A = arith.constant 0 : i32
    %eq3A_6 = vector.broadcast %eq3A : i32 to vector<16xi32>
    %eq3A_7 = arith.cmpi eq, %iota3A, %eq3A_6 : vector<16xi32>
    %min3A = arith.constant 0 : i32
    %min3A_8 = arith.constant 511 : i32
    %min3A_9 = arith.minsi %min3A, %min3A_8 : i32
    %get3A = arith.index_cast %min3A_9 : i32 to index
    %get3A_10 = tpu.vector_load %arg13[%get3A] {strides = array<i32>} : memref<528xi32, #tpu.memory_space<vmem>>, vector<16xi32>,
    %slice3A = vector.extract_strided_slice %get3A_10 {offsets = [0], sizes = [1], strides = [1]} : vector<16xi32> to vector<1xi32>
    %squeeze3A = vector.extract %slice3A[0] : i32 from vector<1xi32>
    %get3A_11 = arith.index_cast %min3A_9 : i32 to index
    %get3A_12 = tpu.vector_load %arg14[%get3A_11] {strides = array<i32>} : memref<528xi32, #tpu.memory_space<vmem>>, vector<16xi32>,
    %slice3A_13 = vector.extract_strided_slice %get3A_12 {offsets = [0], sizes = [1], strides = [1]} : vector<16xi32> to vector<1xi32>
    %squeeze3A_14 = vector.extract %slice3A_13[0] : i32 from vector<1xi32>
    %shift_right_logical3A = arith.constant 7 : i32
    %shift_right_logical3A_15 = arith.shrui %squeeze3A, %shift_right_logical3A : i32
    %shift_left3A = arith.constant 7 : i32
    %shift_left3A_16 = arith.shli %shift_right_logical3A_15, %shift_left3A : i32
    %multiple_of3A_17 = tpu.assume_multiple %shift_left3A_16, 128 : i32
    %shift_right_logical3A_18 = arith.constant 7 : i32
    %shift_right_logical3A_19 = arith.shrui %squeeze3A_14, %shift_right_logical3A_18 : i32
    %shift_left3A_20 = arith.constant 7 : i32
    %shift_left3A_21 = arith.shli %shift_right_logical3A_19, %shift_left3A_20 : i32
    %multiple_of3A_22 = tpu.assume_multiple %shift_left3A_21, 128 : i32
    %dma_start3A = arith.constant 0 : i32
    %dma_start3A_23 = tpu.memref_slice %arg4[%dma_start3A, %multiple_of3A_17] : memref<32x1000000xf32, #tpu.memory_space<hbm>> -> memref<32x128xf32, #tpu.memory_space<hbm>>
    %dma_start3A_24 = arith.constant 0 : i32
    %dma_start3A_25 = tpu.memref_slice %arg4[%dma_start3A_24, %multiple_of3A_17] : memref<32x1000000xf32, #tpu.memory_space<hbm>> -> memref<32x128xf32, #tpu.memory_space<hbm>>
    tpu.enqueue_dma source(%dma_start3A_25 : memref<32x128xf32, #tpu.memory_space<hbm>>) target(%arg15 : memref<32x128xf32, #tpu.memory_space<vmem>>) target_semaphore(%arg36 : memref<!tpu.dma_semaphore, #tpu.memory_space<semaphore_mem>>)
    %dma_start3A_26 = arith.constant 0 : i32
    %dma_start3A_27 = tpu.memref_slice %arg5[%dma_start3A_26, %multiple_of3A_17] : memref<32x1000000xf32, #tpu.memory_space<hbm>> -> memref<32x128xf32, #tpu.memory_space<hbm>>
    %dma_start3A_28 = arith.constant 0 : i32
    %dma_start3A_29 = tpu.memref_slice %arg5[%dma_start3A_28, %multiple_of3A_17] : memref<32x1000000xf32, #tpu.memory_space<hbm>> -> memref<32x128xf32, #tpu.memory_space<hbm>>
    tpu.enqueue_dma source(%dma_start3A_29 : memref<32x128xf32, #tpu.memory_space<hbm>>) target(%arg16 : memref<32x128xf32, #tpu.memory_space<vmem>>) target_semaphore(%arg36 : memref<!tpu.dma_semaphore, #tpu.memory_space<semaphore_mem>>)
    %dma_start3A_30 = arith.constant 0 : i32
    %dma_start3A_31 = tpu.memref_slice %arg6[%dma_start3A_30, %multiple_of3A_22] : memref<32x1000000xf32, #tpu.memory_space<hbm>> -> memref<32x128xf32, #tpu.memory_space<hbm>>
    %dma_start3A_32 = arith.constant 0 : i32
    %dma_start3A_33 = tpu.memref_slice %arg6[%dma_start3A_32, %multiple_of3A_22] : memref<32x1000000xf32, #tpu.memory_space<hbm>> -> memref<32x128xf32, #tpu.memory_space<hbm>>
    tpu.enqueue_dma source(%dma_start3A_33 : memref<32x128xf32, #tpu.memory_space<hbm>>) target(%arg17 : memref<32x128xf32, #tpu.memory_space<vmem>>) target_semaphore(%arg36 : memref<!tpu.dma_semaphore, #tpu.memory_space<semaphore_mem>>)
    %dma_start3A_34 = arith.constant 0 : i32
    %dma_start3A_35 = tpu.memref_slice %arg7[%dma_start3A_34, %multiple_of3A_22] : memref<32x1000000xf32, #tpu.memory_space<hbm>> -> memref<32x128xf32, #tpu.memory_space<hbm>>
    %dma_start3A_36 = arith.constant 0 : i32
    %dma_start3A_37 = tpu.memref_slice %arg7[%dma_start3A_36, %multiple_of3A_22] : memref<32x1000000xf32, #tpu.memory_space<hbm>> -> memref<32x128xf32, #tpu.memory_space<hbm>>
    tpu.enqueue_dma source(%dma_start3A_37 : memref<32x128xf32, #tpu.memory_space<hbm>>) target(%arg18 : memref<32x128xf32, #tpu.memory_space<vmem>>) target_semaphore(%arg36 : memref<!tpu.dma_semaphore, #tpu.memory_space<semaphore_mem>>)
    %min3A_38 = arith.constant 1 : i32
    %min3A_39 = arith.constant 511 : i32
    %min3A_40 = arith.minsi %min3A_38, %min3A_39 : i32
    %get3A_41 = arith.index_cast %min3A_40 : i32 to index
    %get3A_42 = tpu.vector_load %arg13[%get3A_41] {strides = array<i32>} : memref<528xi32, #tpu.memory_space<vmem>>, vector<16xi32>,
    %slice3A_43 = vector.extract_strided_slice %get3A_42 {offsets = [0], sizes = [1], strides = [1]} : vector<16xi32> to vector<1xi32>
    %squeeze3A_44 = vector.extract %slice3A_43[0] : i32 from vector<1xi32>
    %get3A_45 = arith.index_cast %min3A_40 : i32 to index
    %get3A_46 = tpu.vector_load %arg14[%get3A_45] {strides = array<i32>} : memref<528xi32, #tpu.memory_space<vmem>>, vector<16xi32>,
    %slice3A_47 = vector.extract_strided_slice %get3A_46 {offsets = [0], sizes = [1], strides = [1]} : vector<16xi32> to vector<1xi32>
    %squeeze3A_48 = vector.extract %slice3A_47[0] : i32 from vector<1xi32>
    %shift_right_logical3A_49 = arith.constant 7 : i32
    %shift_right_logical3A_50 = arith.shrui %squeeze3A_44, %shift_right_logical3A_49 : i32
    %shift_left3A_51 = arith.constant 7 : i32
    %shift_left3A_52 = arith.shli %shift_right_logical3A_50, %shift_left3A_51 : i32
    %multiple_of3A_53 = tpu.assume_multiple %shift_left3A_52, 128 : i32
    %shift_right_logical3A_54 = arith.constant 7 : i32
    %shift_right_logical3A_55 = arith.shrui %squeeze3A_48, %shift_right_logical3A_54 : i32
    %shift_left3A_56 = arith.constant 7 : i32
    %shift_left3A_57 = arith.shli %shift_right_logical3A_55, %shift_left3A_56 : i32
    %multiple_of3A_58 = tpu.assume_multiple %shift_left3A_57, 128 : i32
    %dma_start3A_59 = arith.constant 0 : i32
    %dma_start3A_60 = tpu.memref_slice %arg4[%dma_start3A_59, %multiple_of3A_53] : memref<32x1000000xf32, #tpu.memory_space<hbm>> -> memref<32x128xf32, #tpu.memory_space<hbm>>
    %dma_start3A_61 = arith.constant 0 : i32
    %dma_start3A_62 = tpu.memref_slice %arg4[%dma_start3A_61, %multiple_of3A_53] : memref<32x1000000xf32, #tpu.memory_space<hbm>> -> memref<32x128xf32, #tpu.memory_space<hbm>>
    tpu.enqueue_dma source(%dma_start3A_62 : memref<32x128xf32, #tpu.memory_space<hbm>>) target(%arg19 : memref<32x128xf32, #tpu.memory_space<vmem>>) target_semaphore(%arg37 : memref<!tpu.dma_semaphore, #tpu.memory_space<semaphore_mem>>)
    %dma_start3A_63 = arith.constant 0 : i32
    %dma_start3A_64 = tpu.memref_slice %arg5[%dma_start3A_63, %multiple_of3A_53] : memref<32x1000000xf32, #tpu.memory_space<hbm>> -> memref<32x128xf32, #tpu.memory_space<hbm>>
    %dma_start3A_65 = arith.constant 0 : i32
    %dma_start3A_66 = tpu.memref_slice %arg5[%dma_start3A_65, %multiple_of3A_53] : memref<32x1000000xf32, #tpu.memory_space<hbm>> -> memref<32x128xf32, #tpu.memory_space<hbm>>
    tpu.enqueue_dma source(%dma_start3A_66 : memref<32x128xf32, #tpu.memory_space<hbm>>) target(%arg20 : memref<32x128xf32, #tpu.memory_space<vmem>>) target_semaphore(%arg37 : memref<!tpu.dma_semaphore, #tpu.memory_space<semaphore_mem>>)
    %dma_start3A_67 = arith.constant 0 : i32
    %dma_start3A_68 = tpu.memref_slice %arg6[%dma_start3A_67, %multiple_of3A_58] : memref<32x1000000xf32, #tpu.memory_space<hbm>> -> memref<32x128xf32, #tpu.memory_space<hbm>>
    %dma_start3A_69 = arith.constant 0 : i32
    %dma_start3A_70 = tpu.memref_slice %arg6[%dma_start3A_69, %multiple_of3A_58] : memref<32x1000000xf32, #tpu.memory_space<hbm>> -> memref<32x128xf32, #tpu.memory_space<hbm>>
    tpu.enqueue_dma source(%dma_start3A_70 : memref<32x128xf32, #tpu.memory_space<hbm>>) target(%arg21 : memref<32x128xf32, #tpu.memory_space<vmem>>) target_semaphore(%arg37 : memref<!tpu.dma_semaphore, #tpu.memory_space<semaphore_mem>>)
    %dma_start3A_71 = arith.constant 0 : i32
    %dma_start3A_72 = tpu.memref_slice %arg7[%dma_start3A_71, %multiple_of3A_58] : memref<32x1000000xf32, #tpu.memory_space<hbm>> -> memref<32x128xf32, #tpu.memory_space<hbm>>
    %dma_start3A_73 = arith.constant 0 : i32
    %dma_start3A_74 = tpu.memref_slice %arg7[%dma_start3A_73, %multiple_of3A_58] : memref<32x1000000xf32, #tpu.memory_space<hbm>> -> memref<32x128xf32, #tpu.memory_space<hbm>>
    tpu.enqueue_dma source(%dma_start3A_74 : memref<32x128xf32, #tpu.memory_space<hbm>>) target(%arg22 : memref<32x128xf32, #tpu.memory_space<vmem>>) target_semaphore(%arg37 : memref<!tpu.dma_semaphore, #tpu.memory_space<semaphore_mem>>)
    %min3A_75 = arith.constant 2 : i32
    %min3A_76 = arith.constant 511 : i32
    %min3A_77 = arith.minsi %min3A_75, %min3A_76 : i32
    %get3A_78 = arith.index_cast %min3A_77 : i32 to index
    %get3A_79 = tpu.vector_load %arg13[%get3A_78] {strides = array<i32>} : memref<528xi32, #tpu.memory_space<vmem>>, vector<16xi32>,
    %slice3A_80 = vector.extract_strided_slice %get3A_79 {offsets = [0], sizes = [1], strides = [1]} : vector<16xi32> to vector<1xi32>
    %squeeze3A_81 = vector.extract %slice3A_80[0] : i32 from vector<1xi32>
    %get3A_82 = arith.index_cast %min3A_77 : i32 to index
    %get3A_83 = tpu.vector_load %arg14[%get3A_82] {strides = array<i32>} : memref<528xi32, #tpu.memory_space<vmem>>, vector<16xi32>,
    %slice3A_84 = vector.extract_strided_slice %get3A_83 {offsets = [0], sizes = [1], strides = [1]} : vector<16xi32> to vector<1xi32>
    %squeeze3A_85 = vector.extract %slice3A_84[0] : i32 from vector<1xi32>
    %shift_right_logical3A_86 = arith.constant 7 : i32
    %shift_right_logical3A_87 = arith.shrui %squeeze3A_81, %shift_right_logical3A_86 : i32
    %shift_left3A_88 = arith.constant 7 : i32
    %shift_left3A_89 = arith.shli %shift_right_logical3A_87, %shift_left3A_88 : i32
    %multiple_of3A_90 = tpu.assume_multiple %shift_left3A_89, 128 : i32
    %shift_right_logical3A_91 = arith.constant 7 : i32
    %shift_right_logical3A_92 = arith.shrui %squeeze3A_85, %shift_right_logical3A_91 : i32
    %shift_left3A_93 = arith.constant 7 : i32
    %shift_left3A_94 = arith.shli %shift_right_logical3A_92, %shift_left3A_93 : i32
    %multiple_of3A_95 = tpu.assume_multiple %shift_left3A_94, 128 : i32
    %dma_start3A_96 = arith.constant 0 : i32
    %dma_start3A_97 = tpu.memref_slice %arg4[%dma_start3A_96, %multiple_of3A_90] : memref<32x1000000xf32, #tpu.memory_space<hbm>> -> memref<32x128xf32, #tpu.memory_space<hbm>>
    %dma_start3A_98 = arith.constant 0 : i32
    %dma_start3A_99 = tpu.memref_slice %arg4[%dma_start3A_98, %multiple_of3A_90] : memref<32x1000000xf32, #tpu.memory_space<hbm>> -> memref<32x128xf32, #tpu.memory_space<hbm>>
    tpu.enqueue_dma source(%dma_start3A_99 : memref<32x128xf32, #tpu.memory_space<hbm>>) target(%arg23 : memref<32x128xf32, #tpu.memory_space<vmem>>) target_semaphore(%arg38 : memref<!tpu.dma_semaphore, #tpu.memory_space<semaphore_mem>>)
    %dma_start3A_100 = arith.constant 0 : i32
    %dma_start3A_101 = tpu.memref_slice %arg5[%dma_start3A_100, %multiple_of3A_90] : memref<32x1000000xf32, #tpu.memory_space<hbm>> -> memref<32x128xf32, #tpu.memory_space<hbm>>
    %dma_start3A_102 = arith.constant 0 : i32
    %dma_start3A_103 = tpu.memref_slice %arg5[%dma_start3A_102, %multiple_of3A_90] : memref<32x1000000xf32, #tpu.memory_space<hbm>> -> memref<32x128xf32, #tpu.memory_space<hbm>>
    tpu.enqueue_dma source(%dma_start3A_103 : memref<32x128xf32, #tpu.memory_space<hbm>>) target(%arg24 : memref<32x128xf32, #tpu.memory_space<vmem>>) target_semaphore(%arg38 : memref<!tpu.dma_semaphore, #tpu.memory_space<semaphore_mem>>)
    %dma_start3A_104 = arith.constant 0 : i32
    %dma_start3A_105 = tpu.memref_slice %arg6[%dma_start3A_104, %multiple_of3A_95] : memref<32x1000000xf32, #tpu.memory_space<hbm>> -> memref<32x128xf32, #tpu.memory_space<hbm>>
    %dma_start3A_106 = arith.constant 0 : i32
    %dma_start3A_107 = tpu.memref_slice %arg6[%dma_start3A_106, %multiple_of3A_95] : memref<32x1000000xf32, #tpu.memory_space<hbm>> -> memref<32x128xf32, #tpu.memory_space<hbm>>
    tpu.enqueue_dma source(%dma_start3A_107 : memref<32x128xf32, #tpu.memory_space<hbm>>) target(%arg25 : memref<32x128xf32, #tpu.memory_space<vmem>>) target_semaphore(%arg38 : memref<!tpu.dma_semaphore, #tpu.memory_space<semaphore_mem>>)
    %dma_start3A_108 = arith.constant 0 : i32
    %dma_start3A_109 = tpu.memref_slice %arg7[%dma_start3A_108, %multiple_of3A_95] : memref<32x1000000xf32, #tpu.memory_space<hbm>> -> memref<32x128xf32, #tpu.memory_space<hbm>>
    %dma_start3A_110 = arith.constant 0 : i32
    %dma_start3A_111 = tpu.memref_slice %arg7[%dma_start3A_110, %multiple_of3A_95] : memref<32x1000000xf32, #tpu.memory_space<hbm>> -> memref<32x128xf32, #tpu.memory_space<hbm>>
    tpu.enqueue_dma source(%dma_start3A_111 : memref<32x128xf32, #tpu.memory_space<hbm>>) target(%arg26 : memref<32x128xf32, #tpu.memory_space<vmem>>) target_semaphore(%arg38 : memref<!tpu.dma_semaphore, #tpu.memory_space<semaphore_mem>>)
    %min3A_112 = arith.constant 3 : i32
    %min3A_113 = arith.constant 511 : i32
    %min3A_114 = arith.minsi %min3A_112, %min3A_113 : i32
    %get3A_115 = arith.index_cast %min3A_114 : i32 to index
    %get3A_116 = tpu.vector_load %arg13[%get3A_115] {strides = array<i32>} : memref<528xi32, #tpu.memory_space<vmem>>, vector<16xi32>,
    %slice3A_117 = vector.extract_strided_slice %get3A_116 {offsets = [0], sizes = [1], strides = [1]} : vector<16xi32> to vector<1xi32>
    %squeeze3A_118 = vector.extract %slice3A_117[0] : i32 from vector<1xi32>
    %get3A_119 = arith.index_cast %min3A_114 : i32 to index
    %get3A_120 = tpu.vector_load %arg14[%get3A_119] {strides = array<i32>} : memref<528xi32, #tpu.memory_space<vmem>>, vector<16xi32>,
    %slice3A_121 = vector.extract_strided_slice %get3A_120 {offsets = [0], sizes = [1], strides = [1]} : vector<16xi32> to vector<1xi32>
    %squeeze3A_122 = vector.extract %slice3A_121[0] : i32 from vector<1xi32>
    %shift_right_logical3A_123 = arith.constant 7 : i32
    %shift_right_logical3A_124 = arith.shrui %squeeze3A_118, %shift_right_logical3A_123 : i32
    %shift_left3A_125 = arith.constant 7 : i32
    %shift_left3A_126 = arith.shli %shift_right_logical3A_124, %shift_left3A_125 : i32
    %multiple_of3A_127 = tpu.assume_multiple %shift_left3A_126, 128 : i32
    %shift_right_logical3A_128 = arith.constant 7 : i32
    %shift_right_logical3A_129 = arith.shrui %squeeze3A_122, %shift_right_logical3A_128 : i32
    %shift_left3A_130 = arith.constant 7 : i32
    %shift_left3A_131 = arith.shli %shift_right_logical3A_129, %shift_left3A_130 : i32
    %multiple_of3A_132 = tpu.assume_multiple %shift_left3A_131, 128 : i32
    %dma_start3A_133 = arith.constant 0 : i32
    %dma_start3A_134 = tpu.memref_slice %arg4[%dma_start3A_133, %multiple_of3A_127] : memref<32x1000000xf32, #tpu.memory_space<hbm>> -> memref<32x128xf32, #tpu.memory_space<hbm>>
    %dma_start3A_135 = arith.constant 0 : i32
    %dma_start3A_136 = tpu.memref_slice %arg4[%dma_start3A_135, %multiple_of3A_127] : memref<32x1000000xf32, #tpu.memory_space<hbm>> -> memref<32x128xf32, #tpu.memory_space<hbm>>
    tpu.enqueue_dma source(%dma_start3A_136 : memref<32x128xf32, #tpu.memory_space<hbm>>) target(%arg27 : memref<32x128xf32, #tpu.memory_space<vmem>>) target_semaphore(%arg39 : memref<!tpu.dma_semaphore, #tpu.memory_space<semaphore_mem>>)
    %dma_start3A_137 = arith.constant 0 : i32
    %dma_start3A_138 = tpu.memref_slice %arg5[%dma_start3A_137, %multiple_of3A_127] : memref<32x1000000xf32, #tpu.memory_space<hbm>> -> memref<32x128xf32, #tpu.memory_space<hbm>>
    %dma_start3A_139 = arith.constant 0 : i32
    %dma_start3A_140 = tpu.memref_slice %arg5[%dma_start3A_139, %multiple_of3A_127] : memref<32x1000000xf32, #tpu.memory_space<hbm>> -> memref<32x128xf32, #tpu.memory_space<hbm>>
    tpu.enqueue_dma source(%dma_start3A_140 : memref<32x128xf32, #tpu.memory_space<hbm>>) target(%arg28 : memref<32x128xf32, #tpu.memory_space<vmem>>) target_semaphore(%arg39 : memref<!tpu.dma_semaphore, #tpu.memory_space<semaphore_mem>>)
    %dma_start3A_141 = arith.constant 0 : i32
    %dma_start3A_142 = tpu.memref_slice %arg6[%dma_start3A_141, %multiple_of3A_132] : memref<32x1000000xf32, #tpu.memory_space<hbm>> -> memref<32x128xf32, #tpu.memory_space<hbm>>
    %dma_start3A_143 = arith.constant 0 : i32
    %dma_start3A_144 = tpu.memref_slice %arg6[%dma_start3A_143, %multiple_of3A_132] : memref<32x1000000xf32, #tpu.memory_space<hbm>> -> memref<32x128xf32, #tpu.memory_space<hbm>>
    tpu.enqueue_dma source(%dma_start3A_144 : memref<32x128xf32, #tpu.memory_space<hbm>>) target(%arg29 : memref<32x128xf32, #tpu.memory_space<vmem>>) target_semaphore(%arg39 : memref<!tpu.dma_semaphore, #tpu.memory_space<semaphore_mem>>)
    %dma_start3A_145 = arith.constant 0 : i32
    %dma_start3A_146 = tpu.memref_slice %arg7[%dma_start3A_145, %multiple_of3A_132] : memref<32x1000000xf32, #tpu.memory_space<hbm>> -> memref<32x128xf32, #tpu.memory_space<hbm>>
    %dma_start3A_147 = arith.constant 0 : i32
    %dma_start3A_148 = tpu.memref_slice %arg7[%dma_start3A_147, %multiple_of3A_132] : memref<32x1000000xf32, #tpu.memory_space<hbm>> -> memref<32x128xf32, #tpu.memory_space<hbm>>
    tpu.enqueue_dma source(%dma_start3A_148 : memref<32x128xf32, #tpu.memory_space<hbm>>) target(%arg30 : memref<32x128xf32, #tpu.memory_space<vmem>>) target_semaphore(%arg39 : memref<!tpu.dma_semaphore, #tpu.memory_space<semaphore_mem>>)
    %scan3A = arith.constant 0 : i32
    %scan3A_149 = arith.constant 0 : i32
    %scan3A_150 = arith.constant 128 : i32
    %scan3A_151 = arith.addi %scan3A_149, %scan3A_150 : i32
    %scan3A_152 = arith.constant 1 : i32
    scf.for %scan3A_319 = %scan3A_149 to %scan3A_151 step %scan3A_152  : i32 {
      %and3A = arith.constant 31 : i32
      %and3A_320 = arith.andi %scan3A_319, %and3A : i32
      %eq3A_321 = arith.constant 0 : i32
      %eq3A_322 = arith.cmpi eq, %and3A_320, %eq3A_321 : i32
      %ge3A = arith.constant 64 : i32
      %ge3A_323 = arith.cmpi sge, %scan3A_319, %ge3A : i32
      %and3A_324 = arith.andi %eq3A_322, %ge3A_323 : i1
      %convert_element_type3A = arith.extui %and3A_324 : i1 to i32
      %cond3A = arith.constant 0 : i32
      %cond3A_325 = arith.cmpi ne, %convert_element_type3A, %cond3A : i32
      scf.if %cond3A_325 {
        %dma_wait3A_845 = arith.constant 0 : i32
        %dma_wait3A_846 = tpu.memref_slice %arg31[%dma_wait3A_845] : memref<8192xf32, #tpu.memory_space<vmem>> -> memref<4096xf32, #tpu.memory_space<vmem>>
        %dma_wait3A_847 = arith.constant 0 : i32
        %dma_wait3A_848 = tpu.memref_slice %arg9[%dma_wait3A_847] : memref<524288xf32, #tpu.memory_space<hbm>> -> memref<4096xf32, #tpu.memory_space<hbm>>
        %dma_wait3A_849 = arith.constant 0 : i32
        %dma_wait3A_850 = tpu.memref_slice %arg31[%dma_wait3A_849] : memref<8192xf32, #tpu.memory_space<vmem>> -> memref<4096xf32, #tpu.memory_space<vmem>>
        %dma_wait3A_851 = arith.constant 0 : i32
        %dma_wait3A_852 = tpu.memref_slice %arg9[%dma_wait3A_851] : memref<524288xf32, #tpu.memory_space<hbm>> -> memref<4096xf32, #tpu.memory_space<hbm>>
        tpu.wait_dma2 semaphore(%arg40 : memref<!tpu.dma_semaphore, #tpu.memory_space<semaphore_mem>>) src(%dma_wait3A_852 : memref<4096xf32, #tpu.memory_space<hbm>>) dst(%dma_wait3A_850 : memref<4096xf32, #tpu.memory_space<vmem>>)
        %dma_wait3A_853 = arith.constant 0 : i32
        %dma_wait3A_854 = tpu.memref_slice %arg32[%dma_wait3A_853] : memref<8192xf32, #tpu.memory_space<vmem>> -> memref<4096xf32, #tpu.memory_space<vmem>>
        %dma_wait3A_855 = arith.constant 0 : i32
        %dma_wait3A_856 = tpu.memref_slice %arg10[%dma_wait3A_855] : memref<524288xf32, #tpu.memory_space<hbm>> -> memref<4096xf32, #tpu.memory_space<hbm>>
        %dma_wait3A_857 = arith.constant 0 : i32
        %dma_wait3A_858 = tpu.memref_slice %arg32[%dma_wait3A_857] : memref<8192xf32, #tpu.memory_space<vmem>> -> memref<4096xf32, #tpu.memory_space<vmem>>
        %dma_wait3A_859 = arith.constant 0 : i32
        %dma_wait3A_860 = tpu.memref_slice %arg10[%dma_wait3A_859] : memref<524288xf32, #tpu.memory_space<hbm>> -> memref<4096xf32, #tpu.memory_space<hbm>>
        tpu.wait_dma2 semaphore(%arg40 : memref<!tpu.dma_semaphore, #tpu.memory_space<semaphore_mem>>) src(%dma_wait3A_860 : memref<4096xf32, #tpu.memory_space<hbm>>) dst(%dma_wait3A_858 : memref<4096xf32, #tpu.memory_space<vmem>>)
        %dma_wait3A_861 = arith.constant 0 : i32
        %dma_wait3A_862 = tpu.memref_slice %arg33[%dma_wait3A_861] : memref<8192xf32, #tpu.memory_space<vmem>> -> memref<4096xf32, #tpu.memory_space<vmem>>
        %dma_wait3A_863 = arith.constant 0 : i32
        %dma_wait3A_864 = tpu.memref_slice %arg11[%dma_wait3A_863] : memref<524288xf32, #tpu.memory_space<hbm>> -> memref<4096xf32, #tpu.memory_space<hbm>>
        %dma_wait3A_865 = arith.constant 0 : i32
        %dma_wait3A_866 = tpu.memref_slice %arg33[%dma_wait3A_865] : memref<8192xf32, #tpu.memory_space<vmem>> -> memref<4096xf32, #tpu.memory_space<vmem>>
        %dma_wait3A_867 = arith.constant 0 : i32
        %dma_wait3A_868 = tpu.memref_slice %arg11[%dma_wait3A_867] : memref<524288xf32, #tpu.memory_space<hbm>> -> memref<4096xf32, #tpu.memory_space<hbm>>
        tpu.wait_dma2 semaphore(%arg40 : memref<!tpu.dma_semaphore, #tpu.memory_space<semaphore_mem>>) src(%dma_wait3A_868 : memref<4096xf32, #tpu.memory_space<hbm>>) dst(%dma_wait3A_866 : memref<4096xf32, #tpu.memory_space<vmem>>)
        %dma_wait3A_869 = arith.constant 0 : i32
        %dma_wait3A_870 = tpu.memref_slice %arg34[%dma_wait3A_869] : memref<8192xf32, #tpu.memory_space<vmem>> -> memref<4096xf32, #tpu.memory_space<vmem>>
        %dma_wait3A_871 = arith.constant 0 : i32
        %dma_wait3A_872 = tpu.memref_slice %arg12[%dma_wait3A_871] : memref<524288xf32, #tpu.memory_space<hbm>> -> memref<4096xf32, #tpu.memory_space<hbm>>
        %dma_wait3A_873 = arith.constant 0 : i32
        %dma_wait3A_874 = tpu.memref_slice %arg34[%dma_wait3A_873] : memref<8192xf32, #tpu.memory_space<vmem>> -> memref<4096xf32, #tpu.memory_space<vmem>>
        %dma_wait3A_875 = arith.constant 0 : i32
        %dma_wait3A_876 = tpu.memref_slice %arg12[%dma_wait3A_875] : memref<524288xf32, #tpu.memory_space<hbm>> -> memref<4096xf32, #tpu.memory_space<hbm>>
        tpu.wait_dma2 semaphore(%arg40 : memref<!tpu.dma_semaphore, #tpu.memory_space<semaphore_mem>>) src(%dma_wait3A_876 : memref<4096xf32, #tpu.memory_space<hbm>>) dst(%dma_wait3A_874 : memref<4096xf32, #tpu.memory_space<vmem>>)
      } else {
      }
      %mul3A_326 = arith.constant 4 : i32
      %mul3A_327 = arith.muli %scan3A_319, %mul3A_326 : i32
      %add3A_328 = arith.constant 0 : i32
      %add3A_329 = arith.addi %mul3A_327, %add3A_328 : i32
      %dma_wait3A_330 = arith.constant 0 : i32
      %dma_wait3A_331 = arith.constant 0 : i32
      %dma_wait3A_332 = tpu.memref_slice %arg4[%dma_wait3A_330, %dma_wait3A_331] : memref<32x1000000xf32, #tpu.memory_space<hbm>> -> memref<32x128xf32, #tpu.memory_space<hbm>>
      %dma_wait3A_333 = arith.constant 0 : i32
      %dma_wait3A_334 = arith.constant 0 : i32
      %dma_wait3A_335 = tpu.memref_slice %arg4[%dma_wait3A_333, %dma_wait3A_334] : memref<32x1000000xf32, #tpu.memory_space<hbm>> -> memref<32x128xf32, #tpu.memory_space<hbm>>
      tpu.wait_dma2 semaphore(%arg36 : memref<!tpu.dma_semaphore, #tpu.memory_space<semaphore_mem>>) src(%dma_wait3A_335 : memref<32x128xf32, #tpu.memory_space<hbm>>) dst(%arg15 : memref<32x128xf32, #tpu.memory_space<vmem>>)
      %dma_wait3A_336 = arith.constant 0 : i32
      %dma_wait3A_337 = arith.constant 0 : i32
      %dma_wait3A_338 = tpu.memref_slice %arg5[%dma_wait3A_336, %dma_wait3A_337] : memref<32x1000000xf32, #tpu.memory_space<hbm>> -> memref<32x128xf32, #tpu.memory_space<hbm>>
      %dma_wait3A_339 = arith.constant 0 : i32
      %dma_wait3A_340 = arith.constant 0 : i32
      %dma_wait3A_341 = tpu.memref_slice %arg5[%dma_wait3A_339, %dma_wait3A_340] : memref<32x1000000xf32, #tpu.memory_space<hbm>> -> memref<32x128xf32, #tpu.memory_space<hbm>>
      tpu.wait_dma2 semaphore(%arg36 : memref<!tpu.dma_semaphore, #tpu.memory_space<semaphore_mem>>) src(%dma_wait3A_341 : memref<32x128xf32, #tpu.memory_space<hbm>>) dst(%arg16 : memref<32x128xf32, #tpu.memory_space<vmem>>)
      %dma_wait3A_342 = arith.constant 0 : i32
      %dma_wait3A_343 = arith.constant 0 : i32
      %dma_wait3A_344 = tpu.memref_slice %arg6[%dma_wait3A_342, %dma_wait3A_343] : memref<32x1000000xf32, #tpu.memory_space<hbm>> -> memref<32x128xf32, #tpu.memory_space<hbm>>
      %dma_wait3A_345 = arith.constant 0 : i32
      %dma_wait3A_346 = arith.constant 0 : i32
      %dma_wait3A_347 = tpu.memref_slice %arg6[%dma_wait3A_345, %dma_wait3A_346] : memref<32x1000000xf32, #tpu.memory_space<hbm>> -> memref<32x128xf32, #tpu.memory_space<hbm>>
      tpu.wait_dma2 semaphore(%arg36 : memref<!tpu.dma_semaphore, #tpu.memory_space<semaphore_mem>>) src(%dma_wait3A_347 : memref<32x128xf32, #tpu.memory_space<hbm>>) dst(%arg17 : memref<32x128xf32, #tpu.memory_space<vmem>>)
      %dma_wait3A_348 = arith.constant 0 : i32
      %dma_wait3A_349 = arith.constant 0 : i32
      %dma_wait3A_350 = tpu.memref_slice %arg7[%dma_wait3A_348, %dma_wait3A_349] : memref<32x1000000xf32, #tpu.memory_space<hbm>> -> memref<32x128xf32, #tpu.memory_space<hbm>>
      %dma_wait3A_351 = arith.constant 0 : i32
      %dma_wait3A_352 = arith.constant 0 : i32
      %dma_wait3A_353 = tpu.memref_slice %arg7[%dma_wait3A_351, %dma_wait3A_352] : memref<32x1000000xf32, #tpu.memory_space<hbm>> -> memref<32x128xf32, #tpu.memory_space<hbm>>
      tpu.wait_dma2 semaphore(%arg36 : memref<!tpu.dma_semaphore, #tpu.memory_space<semaphore_mem>>) src(%dma_wait3A_353 : memref<32x128xf32, #tpu.memory_space<hbm>>) dst(%arg18 : memref<32x128xf32, #tpu.memory_space<vmem>>)
      %get3A_354 = arith.index_cast %add3A_329 : i32 to index
      %get3A_355 = tpu.vector_load %arg13[%get3A_354] {strides = array<i32>} : memref<528xi32, #tpu.memory_space<vmem>>, vector<16xi32>,
      %slice3A_356 = vector.extract_strided_slice %get3A_355 {offsets = [0], sizes = [1], strides = [1]} : vector<16xi32> to vector<1xi32>
      %squeeze3A_357 = vector.extract %slice3A_356[0] : i32 from vector<1xi32>
      %get3A_358 = arith.index_cast %add3A_329 : i32 to index
      %get3A_359 = tpu.vector_load %arg14[%get3A_358] {strides = array<i32>} : memref<528xi32, #tpu.memory_space<vmem>>, vector<16xi32>,
      %slice3A_360 = vector.extract_strided_slice %get3A_359 {offsets = [0], sizes = [1], strides = [1]} : vector<16xi32> to vector<1xi32>
      %squeeze3A_361 = vector.extract %slice3A_360[0] : i32 from vector<1xi32>
      %and3A_362 = arith.constant 127 : i32
      %and3A_363 = arith.andi %squeeze3A_357, %and3A_362 : i32
      %broadcast_in_dim3A = vector.broadcast %and3A_363 : i32 to vector<16xi32>
      %and3A_364 = arith.constant 127 : i32
      %and3A_365 = arith.andi %squeeze3A_361, %and3A_364 : i32
      %broadcast_in_dim3A_366 = vector.broadcast %and3A_365 : i32 to vector<16xi32>
      %gather3A = tpu.vector_load_idx %arg15[%iota3A, %broadcast_in_dim3A] : memref<32x128xf32, #tpu.memory_space<vmem>>[vector<16xi32>, vector<16xi32>], vector<16xf32>,
      %gather3A_367 = tpu.vector_load_idx %arg15[%add3A_5, %broadcast_in_dim3A] : memref<32x128xf32, #tpu.memory_space<vmem>>[vector<16xi32>, vector<16xi32>], vector<16xf32>,
      %gather3A_368 = tpu.vector_load_idx %arg16[%iota3A, %broadcast_in_dim3A] : memref<32x128xf32, #tpu.memory_space<vmem>>[vector<16xi32>, vector<16xi32>], vector<16xf32>,
      %gather3A_369 = tpu.vector_load_idx %arg16[%add3A_5, %broadcast_in_dim3A] : memref<32x128xf32, #tpu.memory_space<vmem>>[vector<16xi32>, vector<16xi32>], vector<16xf32>,
      %gather3A_370 = tpu.vector_load_idx %arg17[%iota3A, %broadcast_in_dim3A_366] : memref<32x128xf32, #tpu.memory_space<vmem>>[vector<16xi32>, vector<16xi32>], vector<16xf32>,
      %gather3A_371 = tpu.vector_load_idx %arg17[%add3A_5, %broadcast_in_dim3A_366] : memref<32x128xf32, #tpu.memory_space<vmem>>[vector<16xi32>, vector<16xi32>], vector<16xf32>,
      %gather3A_372 = tpu.vector_load_idx %arg18[%iota3A, %broadcast_in_dim3A_366] : memref<32x128xf32, #tpu.memory_space<vmem>>[vector<16xi32>, vector<16xi32>], vector<16xf32>,
      %gather3A_373 = tpu.vector_load_idx %arg18[%add3A_5, %broadcast_in_dim3A_366] : memref<32x128xf32, #tpu.memory_space<vmem>>[vector<16xi32>, vector<16xi32>], vector<16xf32>,
      %and3A_374 = arith.constant 255 : i32
      %and3A_375 = arith.andi %add3A_329, %and3A_374 : i32
      %mul3A_376 = arith.constant 32 : i32
      %mul3A_377 = arith.muli %and3A_375, %mul3A_376 : i32
      %multiple_of3A_378 = tpu.assume_multiple %mul3A_377, 32 : i32
      %and3A_379 = arith.constant 255 : i32
      %and3A_380 = arith.andi %add3A_329, %and3A_379 : i32
      %mul3A_381 = arith.constant 32 : i32
      %mul3A_382 = arith.muli %and3A_380, %mul3A_381 : i32
      %add3A_383 = arith.constant 16 : i32
      %add3A_384 = arith.addi %mul3A_382, %add3A_383 : i32
      %multiple_of3A_385 = tpu.assume_multiple %add3A_384, 16 : i32
      %swap3A = arith.index_cast %multiple_of3A_378 : i32 to index
      %swap3A_386 = tpu.vector_load %arg31[%swap3A] {strides = array<i32>} : memref<8192xf32, #tpu.memory_space<vmem>>, vector<16xf32>,
      tpu.vector_store %arg31[%swap3A], %gather3A {strides = array<i32>} : memref<8192xf32, #tpu.memory_space<vmem>>, vector<16xf32>,
      %swap3A_387 = arith.index_cast %multiple_of3A_385 : i32 to index
      %swap3A_388 = tpu.vector_load %arg31[%swap3A_387] {strides = array<i32>} : memref<8192xf32, #tpu.memory_space<vmem>>, vector<16xf32>,
      tpu.vector_store %arg31[%swap3A_387], %gather3A_367 {strides = array<i32>} : memref<8192xf32, #tpu.memory_space<vmem>>, vector<16xf32>,
      %swap3A_389 = arith.index_cast %multiple_of3A_378 : i32 to index
      %swap3A_390 = tpu.vector_load %arg32[%swap3A_389] {strides = array<i32>} : memref<8192xf32, #tpu.memory_space<vmem>>, vector<16xf32>,
      tpu.vector_store %arg32[%swap3A_389], %gather3A_368 {strides = array<i32>} : memref<8192xf32, #tpu.memory_space<vmem>>, vector<16xf32>,
      %swap3A_391 = arith.index_cast %multiple_of3A_385 : i32 to index
      %swap3A_392 = tpu.vector_load %arg32[%swap3A_391] {strides = array<i32>} : memref<8192xf32, #tpu.memory_space<vmem>>, vector<16xf32>,
      tpu.vector_store %arg32[%swap3A_391], %gather3A_369 {strides = array<i32>} : memref<8192xf32, #tpu.memory_space<vmem>>, vector<16xf32>,
      %swap3A_393 = arith.index_cast %multiple_of3A_378 : i32 to index
      %swap3A_394 = tpu.vector_load %arg33[%swap3A_393] {strides = array<i32>} : memref<8192xf32, #tpu.memory_space<vmem>>, vector<16xf32>,
      tpu.vector_store %arg33[%swap3A_393], %gather3A_370 {strides = array<i32>} : memref<8192xf32, #tpu.memory_space<vmem>>, vector<16xf32>,
      %swap3A_395 = arith.index_cast %multiple_of3A_385 : i32 to index
      %swap3A_396 = tpu.vector_load %arg33[%swap3A_395] {strides = array<i32>} : memref<8192xf32, #tpu.memory_space<vmem>>, vector<16xf32>,
      tpu.vector_store %arg33[%swap3A_395], %gather3A_371 {strides = array<i32>} : memref<8192xf32, #tpu.memory_space<vmem>>, vector<16xf32>,
      %swap3A_397 = arith.index_cast %multiple_of3A_378 : i32 to index
      %swap3A_398 = tpu.vector_load %arg34[%swap3A_397] {strides = array<i32>} : memref<8192xf32, #tpu.memory_space<vmem>>, vector<16xf32>,
      tpu.vector_store %arg34[%swap3A_397], %gather3A_372 {strides = array<i32>} : memref<8192xf32, #tpu.memory_space<vmem>>, vector<16xf32>,
      %swap3A_399 = arith.index_cast %multiple_of3A_385 : i32 to index
      %swap3A_400 = tpu.vector_load %arg34[%swap3A_399] {strides = array<i32>} : memref<8192xf32, #tpu.memory_space<vmem>>, vector<16xf32>,
      tpu.vector_store %arg34[%swap3A_399], %gather3A_373 {strides = array<i32>} : memref<8192xf32, #tpu.memory_space<vmem>>, vector<16xf32>,
      %add3A_401 = arith.addf %gather3A, %gather3A_368 : vector<16xf32>
      %add3A_402 = arith.addf %gather3A_370, %gather3A_372 : vector<16xf32>
      %mul3A_403 = arith.mulf %add3A_401, %add3A_402 : vector<16xf32>
      %add3A_404 = arith.addf %gather3A_367, %gather3A_369 : vector<16xf32>
      %add3A_405 = arith.addf %gather3A_371, %gather3A_373 : vector<16xf32>
      %mul3A_406 = arith.mulf %add3A_404, %add3A_405 : vector<16xf32>
      %add3A_407 = arith.addf %mul3A_403, %mul3A_406 : vector<16xf32>
      %reduce_sum3A = arith.constant true
      %reduce_sum3A_408 = vector.broadcast %reduce_sum3A : i1 to vector<16xi1>
      %reduce_sum3A_409 = tpu.scan <sum>, %add3A_407 masked %reduce_sum3A_408 : vector<16xf32>, vector<16xi1> -> vector<16xf32>
      %reduce_sum3A_410 = vector.extract %reduce_sum3A_409[15] : f32 from vector<16xf32>
      %broadcast_in_dim3A_411 = vector.broadcast %add3A_329 : i32 to vector<16xi32>
      %broadcast_in_dim3A_412 = vector.broadcast %reduce_sum3A_410 : f32 to vector<16xf32>
      tpu.vector_store_idx %arg35[%broadcast_in_dim3A_411], %broadcast_in_dim3A_412 masked %eq3A_7 : memref<512xf32, #tpu.memory_space<vmem>>[vector<16xi32>], vector<16xf32>, vector<16xi1>
      %add3A_413 = arith.constant 4 : i32
      %add3A_414 = arith.addi %add3A_329, %add3A_413 : i32
      %min3A_415 = arith.constant 511 : i32
      %min3A_416 = arith.minsi %add3A_414, %min3A_415 : i32
      %get3A_417 = arith.index_cast %min3A_416 : i32 to index
      %get3A_418 = tpu.vector_load %arg13[%get3A_417] {strides = array<i32>} : memref<528xi32, #tpu.memory_space<vmem>>, vector<16xi32>,
      %slice3A_419 = vector.extract_strided_slice %get3A_418 {offsets = [0], sizes = [1], strides = [1]} : vector<16xi32> to vector<1xi32>
      %squeeze3A_420 = vector.extract %slice3A_419[0] : i32 from vector<1xi32>
      %get3A_421 = arith.index_cast %min3A_416 : i32 to index
      %get3A_422 = tpu.vector_load %arg14[%get3A_421] {strides = array<i32>} : memref<528xi32, #tpu.memory_space<vmem>>, vector<16xi32>,
      %slice3A_423 = vector.extract_strided_slice %get3A_422 {offsets = [0], sizes = [1], strides = [1]} : vector<16xi32> to vector<1xi32>
      %squeeze3A_424 = vector.extract %slice3A_423[0] : i32 from vector<1xi32>
      %shift_right_logical3A_425 = arith.constant 7 : i32
      %shift_right_logical3A_426 = arith.shrui %squeeze3A_420, %shift_right_logical3A_425 : i32
      %shift_left3A_427 = arith.constant 7 : i32
      %shift_left3A_428 = arith.shli %shift_right_logical3A_426, %shift_left3A_427 : i32
      %multiple_of3A_429 = tpu.assume_multiple %shift_left3A_428, 128 : i32
      %shift_right_logical3A_430 = arith.constant 7 : i32
      %shift_right_logical3A_431 = arith.shrui %squeeze3A_424, %shift_right_logical3A_430 : i32
      %shift_left3A_432 = arith.constant 7 : i32
      %shift_left3A_433 = arith.shli %shift_right_logical3A_431, %shift_left3A_432 : i32
      %multiple_of3A_434 = tpu.assume_multiple %shift_left3A_433, 128 : i32
      %dma_start3A_435 = arith.constant 0 : i32
      %dma_start3A_436 = tpu.memref_slice %arg4[%dma_start3A_435, %multiple_of3A_429] : memref<32x1000000xf32, #tpu.memory_space<hbm>> -> memref<32x128xf32, #tpu.memory_space<hbm>>
      %dma_start3A_437 = arith.constant 0 : i32
      %dma_start3A_438 = tpu.memref_slice %arg4[%dma_start3A_437, %multiple_of3A_429] : memref<32x1000000xf32, #tpu.memory_space<hbm>> -> memref<32x128xf32, #tpu.memory_space<hbm>>
      tpu.enqueue_dma source(%dma_start3A_438 : memref<32x128xf32, #tpu.memory_space<hbm>>) target(%arg15 : memref<32x128xf32, #tpu.memory_space<vmem>>) target_semaphore(%arg36 : memref<!tpu.dma_semaphore, #tpu.memory_space<semaphore_mem>>)
      %dma_start3A_439 = arith.constant 0 : i32
      %dma_start3A_440 = tpu.memref_slice %arg5[%dma_start3A_439, %multiple_of3A_429] : memref<32x1000000xf32, #tpu.memory_space<hbm>> -> memref<32x128xf32, #tpu.memory_space<hbm>>
      %dma_start3A_441 = arith.constant 0 : i32
      %dma_start3A_442 = tpu.memref_slice %arg5[%dma_start3A_441, %multiple_of3A_429] : memref<32x1000000xf32, #tpu.memory_space<hbm>> -> memref<32x128xf32, #tpu.memory_space<hbm>>
      tpu.enqueue_dma source(%dma_start3A_442 : memref<32x128xf32, #tpu.memory_space<hbm>>) target(%arg16 : memref<32x128xf32, #tpu.memory_space<vmem>>) target_semaphore(%arg36 : memref<!tpu.dma_semaphore, #tpu.memory_space<semaphore_mem>>)
      %dma_start3A_443 = arith.constant 0 : i32
      %dma_start3A_444 = tpu.memref_slice %arg6[%dma_start3A_443, %multiple_of3A_434] : memref<32x1000000xf32, #tpu.memory_space<hbm>> -> memref<32x128xf32, #tpu.memory_space<hbm>>
      %dma_start3A_445 = arith.constant 0 : i32
      %dma_start3A_446 = tpu.memref_slice %arg6[%dma_start3A_445, %multiple_of3A_434] : memref<32x1000000xf32, #tpu.memory_space<hbm>> -> memref<32x128xf32, #tpu.memory_space<hbm>>
      tpu.enqueue_dma source(%dma_start3A_446 : memref<32x128xf32, #tpu.memory_space<hbm>>) target(%arg17 : memref<32x128xf32, #tpu.memory_space<vmem>>) target_semaphore(%arg36 : memref<!tpu.dma_semaphore, #tpu.memory_space<semaphore_mem>>)
      %dma_start3A_447 = arith.constant 0 : i32
      %dma_start3A_448 = tpu.memref_slice %arg7[%dma_start3A_447, %multiple_of3A_434] : memref<32x1000000xf32, #tpu.memory_space<hbm>> -> memref<32x128xf32, #tpu.memory_space<hbm>>
      %dma_start3A_449 = arith.constant 0 : i32
      %dma_start3A_450 = tpu.memref_slice %arg7[%dma_start3A_449, %multiple_of3A_434] : memref<32x1000000xf32, #tpu.memory_space<hbm>> -> memref<32x128xf32, #tpu.memory_space<hbm>>
      tpu.enqueue_dma source(%dma_start3A_450 : memref<32x128xf32, #tpu.memory_space<hbm>>) target(%arg18 : memref<32x128xf32, #tpu.memory_space<vmem>>) target_semaphore(%arg36 : memref<!tpu.dma_semaphore, #tpu.memory_space<semaphore_mem>>)
      %mul3A_451 = arith.constant 4 : i32
      %mul3A_452 = arith.muli %scan3A_319, %mul3A_451 : i32
      %add3A_453 = arith.constant 1 : i32
      %add3A_454 = arith.addi %mul3A_452, %add3A_453 : i32
      %dma_wait3A_455 = arith.constant 0 : i32
      %dma_wait3A_456 = arith.constant 0 : i32
      %dma_wait3A_457 = tpu.memref_slice %arg4[%dma_wait3A_455, %dma_wait3A_456] : memref<32x1000000xf32, #tpu.memory_space<hbm>> -> memref<32x128xf32, #tpu.memory_space<hbm>>
      %dma_wait3A_458 = arith.constant 0 : i32
      %dma_wait3A_459 = arith.constant 0 : i32
      %dma_wait3A_460 = tpu.memref_slice %arg4[%dma_wait3A_458, %dma_wait3A_459] : memref<32x1000000xf32, #tpu.memory_space<hbm>> -> memref<32x128xf32, #tpu.memory_space<hbm>>
      tpu.wait_dma2 semaphore(%arg37 : memref<!tpu.dma_semaphore, #tpu.memory_space<semaphore_mem>>) src(%dma_wait3A_460 : memref<32x128xf32, #tpu.memory_space<hbm>>) dst(%arg19 : memref<32x128xf32, #tpu.memory_space<vmem>>)
      %dma_wait3A_461 = arith.constant 0 : i32
      %dma_wait3A_462 = arith.constant 0 : i32
      %dma_wait3A_463 = tpu.memref_slice %arg5[%dma_wait3A_461, %dma_wait3A_462] : memref<32x1000000xf32, #tpu.memory_space<hbm>> -> memref<32x128xf32, #tpu.memory_space<hbm>>
      %dma_wait3A_464 = arith.constant 0 : i32
      %dma_wait3A_465 = arith.constant 0 : i32
      %dma_wait3A_466 = tpu.memref_slice %arg5[%dma_wait3A_464, %dma_wait3A_465] : memref<32x1000000xf32, #tpu.memory_space<hbm>> -> memref<32x128xf32, #tpu.memory_space<hbm>>
      tpu.wait_dma2 semaphore(%arg37 : memref<!tpu.dma_semaphore, #tpu.memory_space<semaphore_mem>>) src(%dma_wait3A_466 : memref<32x128xf32, #tpu.memory_space<hbm>>) dst(%arg20 : memref<32x128xf32, #tpu.memory_space<vmem>>)
      %dma_wait3A_467 = arith.constant 0 : i32
      %dma_wait3A_468 = arith.constant 0 : i32
      %dma_wait3A_469 = tpu.memref_slice %arg6[%dma_wait3A_467, %dma_wait3A_468] : memref<32x1000000xf32, #tpu.memory_space<hbm>> -> memref<32x128xf32, #tpu.memory_space<hbm>>
      %dma_wait3A_470 = arith.constant 0 : i32
      %dma_wait3A_471 = arith.constant 0 : i32
      %dma_wait3A_472 = tpu.memref_slice %arg6[%dma_wait3A_470, %dma_wait3A_471] : memref<32x1000000xf32, #tpu.memory_space<hbm>> -> memref<32x128xf32, #tpu.memory_space<hbm>>
      tpu.wait_dma2 semaphore(%arg37 : memref<!tpu.dma_semaphore, #tpu.memory_space<semaphore_mem>>) src(%dma_wait3A_472 : memref<32x128xf32, #tpu.memory_space<hbm>>) dst(%arg21 : memref<32x128xf32, #tpu.memory_space<vmem>>)
      %dma_wait3A_473 = arith.constant 0 : i32
      %dma_wait3A_474 = arith.constant 0 : i32
      %dma_wait3A_475 = tpu.memref_slice %arg7[%dma_wait3A_473, %dma_wait3A_474] : memref<32x1000000xf32, #tpu.memory_space<hbm>> -> memref<32x128xf32, #tpu.memory_space<hbm>>
      %dma_wait3A_476 = arith.constant 0 : i32
      %dma_wait3A_477 = arith.constant 0 : i32
      %dma_wait3A_478 = tpu.memref_slice %arg7[%dma_wait3A_476, %dma_wait3A_477] : memref<32x1000000xf32, #tpu.memory_space<hbm>> -> memref<32x128xf32, #tpu.memory_space<hbm>>
      tpu.wait_dma2 semaphore(%arg37 : memref<!tpu.dma_semaphore, #tpu.memory_space<semaphore_mem>>) src(%dma_wait3A_478 : memref<32x128xf32, #tpu.memory_space<hbm>>) dst(%arg22 : memref<32x128xf32, #tpu.memory_space<vmem>>)
      %get3A_479 = arith.index_cast %add3A_454 : i32 to index
      %get3A_480 = tpu.vector_load %arg13[%get3A_479] {strides = array<i32>} : memref<528xi32, #tpu.memory_space<vmem>>, vector<16xi32>,
      %slice3A_481 = vector.extract_strided_slice %get3A_480 {offsets = [0], sizes = [1], strides = [1]} : vector<16xi32> to vector<1xi32>
      %squeeze3A_482 = vector.extract %slice3A_481[0] : i32 from vector<1xi32>
      %get3A_483 = arith.index_cast %add3A_454 : i32 to index
      %get3A_484 = tpu.vector_load %arg14[%get3A_483] {strides = array<i32>} : memref<528xi32, #tpu.memory_space<vmem>>, vector<16xi32>,
      %slice3A_485 = vector.extract_strided_slice %get3A_484 {offsets = [0], sizes = [1], strides = [1]} : vector<16xi32> to vector<1xi32>
      %squeeze3A_486 = vector.extract %slice3A_485[0] : i32 from vector<1xi32>
      %and3A_487 = arith.constant 127 : i32
      %and3A_488 = arith.andi %squeeze3A_482, %and3A_487 : i32
      %broadcast_in_dim3A_489 = vector.broadcast %and3A_488 : i32 to vector<16xi32>
      %and3A_490 = arith.constant 127 : i32
      %and3A_491 = arith.andi %squeeze3A_486, %and3A_490 : i32
      %broadcast_in_dim3A_492 = vector.broadcast %and3A_491 : i32 to vector<16xi32>
      %gather3A_493 = tpu.vector_load_idx %arg19[%iota3A, %broadcast_in_dim3A_489] : memref<32x128xf32, #tpu.memory_space<vmem>>[vector<16xi32>, vector<16xi32>], vector<16xf32>,
      %gather3A_494 = tpu.vector_load_idx %arg19[%add3A_5, %broadcast_in_dim3A_489] : memref<32x128xf32, #tpu.memory_space<vmem>>[vector<16xi32>, vector<16xi32>], vector<16xf32>,
      %gather3A_495 = tpu.vector_load_idx %arg20[%iota3A, %broadcast_in_dim3A_489] : memref<32x128xf32, #tpu.memory_space<vmem>>[vector<16xi32>, vector<16xi32>], vector<16xf32>,
      %gather3A_496 = tpu.vector_load_idx %arg20[%add3A_5, %broadcast_in_dim3A_489] : memref<32x128xf32, #tpu.memory_space<vmem>>[vector<16xi32>, vector<16xi32>], vector<16xf32>,
      %gather3A_497 = tpu.vector_load_idx %arg21[%iota3A, %broadcast_in_dim3A_492] : memref<32x128xf32, #tpu.memory_space<vmem>>[vector<16xi32>, vector<16xi32>], vector<16xf32>,
      %gather3A_498 = tpu.vector_load_idx %arg21[%add3A_5, %broadcast_in_dim3A_492] : memref<32x128xf32, #tpu.memory_space<vmem>>[vector<16xi32>, vector<16xi32>], vector<16xf32>,
      %gather3A_499 = tpu.vector_load_idx %arg22[%iota3A, %broadcast_in_dim3A_492] : memref<32x128xf32, #tpu.memory_space<vmem>>[vector<16xi32>, vector<16xi32>], vector<16xf32>,
      %gather3A_500 = tpu.vector_load_idx %arg22[%add3A_5, %broadcast_in_dim3A_492] : memref<32x128xf32, #tpu.memory_space<vmem>>[vector<16xi32>, vector<16xi32>], vector<16xf32>,
      %and3A_501 = arith.constant 255 : i32
      %and3A_502 = arith.andi %add3A_454, %and3A_501 : i32
      %mul3A_503 = arith.constant 32 : i32
      %mul3A_504 = arith.muli %and3A_502, %mul3A_503 : i32
      %multiple_of3A_505 = tpu.assume_multiple %mul3A_504, 32 : i32
      %and3A_506 = arith.constant 255 : i32
      %and3A_507 = arith.andi %add3A_454, %and3A_506 : i32
      %mul3A_508 = arith.constant 32 : i32
      %mul3A_509 = arith.muli %and3A_507, %mul3A_508 : i32
      %add3A_510 = arith.constant 16 : i32
      %add3A_511 = arith.addi %mul3A_509, %add3A_510 : i32
      %multiple_of3A_512 = tpu.assume_multiple %add3A_511, 16 : i32
      %swap3A_513 = arith.index_cast %multiple_of3A_505 : i32 to index
      %swap3A_514 = tpu.vector_load %arg31[%swap3A_513] {strides = array<i32>} : memref<8192xf32, #tpu.memory_space<vmem>>, vector<16xf32>,
      tpu.vector_store %arg31[%swap3A_513], %gather3A_493 {strides = array<i32>} : memref<8192xf32, #tpu.memory_space<vmem>>, vector<16xf32>,
      %swap3A_515 = arith.index_cast %multiple_of3A_512 : i32 to index
      %swap3A_516 = tpu.vector_load %arg31[%swap3A_515] {strides = array<i32>} : memref<8192xf32, #tpu.memory_space<vmem>>, vector<16xf32>,
      tpu.vector_store %arg31[%swap3A_515], %gather3A_494 {strides = array<i32>} : memref<8192xf32, #tpu.memory_space<vmem>>, vector<16xf32>,
      %swap3A_517 = arith.index_cast %multiple_of3A_505 : i32 to index
      %swap3A_518 = tpu.vector_load %arg32[%swap3A_517] {strides = array<i32>} : memref<8192xf32, #tpu.memory_space<vmem>>, vector<16xf32>,
      tpu.vector_store %arg32[%swap3A_517], %gather3A_495 {strides = array<i32>} : memref<8192xf32, #tpu.memory_space<vmem>>, vector<16xf32>,
      %swap3A_519 = arith.index_cast %multiple_of3A_512 : i32 to index
      %swap3A_520 = tpu.vector_load %arg32[%swap3A_519] {strides = array<i32>} : memref<8192xf32, #tpu.memory_space<vmem>>, vector<16xf32>,
      tpu.vector_store %arg32[%swap3A_519], %gather3A_496 {strides = array<i32>} : memref<8192xf32, #tpu.memory_space<vmem>>, vector<16xf32>,
      %swap3A_521 = arith.index_cast %multiple_of3A_505 : i32 to index
      %swap3A_522 = tpu.vector_load %arg33[%swap3A_521] {strides = array<i32>} : memref<8192xf32, #tpu.memory_space<vmem>>, vector<16xf32>,
      tpu.vector_store %arg33[%swap3A_521], %gather3A_497 {strides = array<i32>} : memref<8192xf32, #tpu.memory_space<vmem>>, vector<16xf32>,
      %swap3A_523 = arith.index_cast %multiple_of3A_512 : i32 to index
      %swap3A_524 = tpu.vector_load %arg33[%swap3A_523] {strides = array<i32>} : memref<8192xf32, #tpu.memory_space<vmem>>, vector<16xf32>,
      tpu.vector_store %arg33[%swap3A_523], %gather3A_498 {strides = array<i32>} : memref<8192xf32, #tpu.memory_space<vmem>>, vector<16xf32>,
      %swap3A_525 = arith.index_cast %multiple_of3A_505 : i32 to index
      %swap3A_526 = tpu.vector_load %arg34[%swap3A_525] {strides = array<i32>} : memref<8192xf32, #tpu.memory_space<vmem>>, vector<16xf32>,
      tpu.vector_store %arg34[%swap3A_525], %gather3A_499 {strides = array<i32>} : memref<8192xf32, #tpu.memory_space<vmem>>, vector<16xf32>,
      %swap3A_527 = arith.index_cast %multiple_of3A_512 : i32 to index
      %swap3A_528 = tpu.vector_load %arg34[%swap3A_527] {strides = array<i32>} : memref<8192xf32, #tpu.memory_space<vmem>>, vector<16xf32>,
      tpu.vector_store %arg34[%swap3A_527], %gather3A_500 {strides = array<i32>} : memref<8192xf32, #tpu.memory_space<vmem>>, vector<16xf32>,
      %add3A_529 = arith.addf %gather3A_493, %gather3A_495 : vector<16xf32>
      %add3A_530 = arith.addf %gather3A_497, %gather3A_499 : vector<16xf32>
      %mul3A_531 = arith.mulf %add3A_529, %add3A_530 : vector<16xf32>
      %add3A_532 = arith.addf %gather3A_494, %gather3A_496 : vector<16xf32>
      %add3A_533 = arith.addf %gather3A_498, %gather3A_500 : vector<16xf32>
      %mul3A_534 = arith.mulf %add3A_532, %add3A_533 : vector<16xf32>
      %add3A_535 = arith.addf %mul3A_531, %mul3A_534 : vector<16xf32>
      %reduce_sum3A_536 = arith.constant true
      %reduce_sum3A_537 = vector.broadcast %reduce_sum3A_536 : i1 to vector<16xi1>
      %reduce_sum3A_538 = tpu.scan <sum>, %add3A_535 masked %reduce_sum3A_537 : vector<16xf32>, vector<16xi1> -> vector<16xf32>
      %reduce_sum3A_539 = vector.extract %reduce_sum3A_538[15] : f32 from vector<16xf32>
      %broadcast_in_dim3A_540 = vector.broadcast %add3A_454 : i32 to vector<16xi32>
      %broadcast_in_dim3A_541 = vector.broadcast %reduce_sum3A_539 : f32 to vector<16xf32>
      tpu.vector_store_idx %arg35[%broadcast_in_dim3A_540], %broadcast_in_dim3A_541 masked %eq3A_7 : memref<512xf32, #tpu.memory_space<vmem>>[vector<16xi32>], vector<16xf32>, vector<16xi1>
      %add3A_542 = arith.constant 4 : i32
      %add3A_543 = arith.addi %add3A_454, %add3A_542 : i32
      %min3A_544 = arith.constant 511 : i32
      %min3A_545 = arith.minsi %add3A_543, %min3A_544 : i32
      %get3A_546 = arith.index_cast %min3A_545 : i32 to index
      %get3A_547 = tpu.vector_load %arg13[%get3A_546] {strides = array<i32>} : memref<528xi32, #tpu.memory_space<vmem>>, vector<16xi32>,
      %slice3A_548 = vector.extract_strided_slice %get3A_547 {offsets = [0], sizes = [1], strides = [1]} : vector<16xi32> to vector<1xi32>
      %squeeze3A_549 = vector.extract %slice3A_548[0] : i32 from vector<1xi32>
      %get3A_550 = arith.index_cast %min3A_545 : i32 to index
      %get3A_551 = tpu.vector_load %arg14[%get3A_550] {strides = array<i32>} : memref<528xi32, #tpu.memory_space<vmem>>, vector<16xi32>,
      %slice3A_552 = vector.extract_strided_slice %get3A_551 {offsets = [0], sizes = [1], strides = [1]} : vector<16xi32> to vector<1xi32>
      %squeeze3A_553 = vector.extract %slice3A_552[0] : i32 from vector<1xi32>
      %shift_right_logical3A_554 = arith.constant 7 : i32
      %shift_right_logical3A_555 = arith.shrui %squeeze3A_549, %shift_right_logical3A_554 : i32
      %shift_left3A_556 = arith.constant 7 : i32
      %shift_left3A_557 = arith.shli %shift_right_logical3A_555, %shift_left3A_556 : i32
      %multiple_of3A_558 = tpu.assume_multiple %shift_left3A_557, 128 : i32
      %shift_right_logical3A_559 = arith.constant 7 : i32
      %shift_right_logical3A_560 = arith.shrui %squeeze3A_553, %shift_right_logical3A_559 : i32
      %shift_left3A_561 = arith.constant 7 : i32
      %shift_left3A_562 = arith.shli %shift_right_logical3A_560, %shift_left3A_561 : i32
      %multiple_of3A_563 = tpu.assume_multiple %shift_left3A_562, 128 : i32
      %dma_start3A_564 = arith.constant 0 : i32
      %dma_start3A_565 = tpu.memref_slice %arg4[%dma_start3A_564, %multiple_of3A_558] : memref<32x1000000xf32, #tpu.memory_space<hbm>> -> memref<32x128xf32, #tpu.memory_space<hbm>>
      %dma_start3A_566 = arith.constant 0 : i32
      %dma_start3A_567 = tpu.memref_slice %arg4[%dma_start3A_566, %multiple_of3A_558] : memref<32x1000000xf32, #tpu.memory_space<hbm>> -> memref<32x128xf32, #tpu.memory_space<hbm>>
      tpu.enqueue_dma source(%dma_start3A_567 : memref<32x128xf32, #tpu.memory_space<hbm>>) target(%arg19 : memref<32x128xf32, #tpu.memory_space<vmem>>) target_semaphore(%arg37 : memref<!tpu.dma_semaphore, #tpu.memory_space<semaphore_mem>>)
      %dma_start3A_568 = arith.constant 0 : i32
      %dma_start3A_569 = tpu.memref_slice %arg5[%dma_start3A_568, %multiple_of3A_558] : memref<32x1000000xf32, #tpu.memory_space<hbm>> -> memref<32x128xf32, #tpu.memory_space<hbm>>
      %dma_start3A_570 = arith.constant 0 : i32
      %dma_start3A_571 = tpu.memref_slice %arg5[%dma_start3A_570, %multiple_of3A_558] : memref<32x1000000xf32, #tpu.memory_space<hbm>> -> memref<32x128xf32, #tpu.memory_space<hbm>>
      tpu.enqueue_dma source(%dma_start3A_571 : memref<32x128xf32, #tpu.memory_space<hbm>>) target(%arg20 : memref<32x128xf32, #tpu.memory_space<vmem>>) target_semaphore(%arg37 : memref<!tpu.dma_semaphore, #tpu.memory_space<semaphore_mem>>)
      %dma_start3A_572 = arith.constant 0 : i32
      %dma_start3A_573 = tpu.memref_slice %arg6[%dma_start3A_572, %multiple_of3A_563] : memref<32x1000000xf32, #tpu.memory_space<hbm>> -> memref<32x128xf32, #tpu.memory_space<hbm>>
      %dma_start3A_574 = arith.constant 0 : i32
      %dma_start3A_575 = tpu.memref_slice %arg6[%dma_start3A_574, %multiple_of3A_563] : memref<32x1000000xf32, #tpu.memory_space<hbm>> -> memref<32x128xf32, #tpu.memory_space<hbm>>
      tpu.enqueue_dma source(%dma_start3A_575 : memref<32x128xf32, #tpu.memory_space<hbm>>) target(%arg21 : memref<32x128xf32, #tpu.memory_space<vmem>>) target_semaphore(%arg37 : memref<!tpu.dma_semaphore, #tpu.memory_space<semaphore_mem>>)
      %dma_start3A_576 = arith.constant 0 : i32
      %dma_start3A_577 = tpu.memref_slice %arg7[%dma_start3A_576, %multiple_of3A_563] : memref<32x1000000xf32, #tpu.memory_space<hbm>> -> memref<32x128xf32, #tpu.memory_space<hbm>>
      %dma_start3A_578 = arith.constant 0 : i32
      %dma_start3A_579 = tpu.memref_slice %arg7[%dma_start3A_578, %multiple_of3A_563] : memref<32x1000000xf32, #tpu.memory_space<hbm>> -> memref<32x128xf32, #tpu.memory_space<hbm>>
      tpu.enqueue_dma source(%dma_start3A_579 : memref<32x128xf32, #tpu.memory_space<hbm>>) target(%arg22 : memref<32x128xf32, #tpu.memory_space<vmem>>) target_semaphore(%arg37 : memref<!tpu.dma_semaphore, #tpu.memory_space<semaphore_mem>>)
      %mul3A_580 = arith.constant 4 : i32
      %mul3A_581 = arith.muli %scan3A_319, %mul3A_580 : i32
      %add3A_582 = arith.constant 2 : i32
      %add3A_583 = arith.addi %mul3A_581, %add3A_582 : i32
      %dma_wait3A_584 = arith.constant 0 : i32
      %dma_wait3A_585 = arith.constant 0 : i32
      %dma_wait3A_586 = tpu.memref_slice %arg4[%dma_wait3A_584, %dma_wait3A_585] : memref<32x1000000xf32, #tpu.memory_space<hbm>> -> memref<32x128xf32, #tpu.memory_space<hbm>>
      %dma_wait3A_587 = arith.constant 0 : i32
      %dma_wait3A_588 = arith.constant 0 : i32
      %dma_wait3A_589 = tpu.memref_slice %arg4[%dma_wait3A_587, %dma_wait3A_588] : memref<32x1000000xf32, #tpu.memory_space<hbm>> -> memref<32x128xf32, #tpu.memory_space<hbm>>
      tpu.wait_dma2 semaphore(%arg38 : memref<!tpu.dma_semaphore, #tpu.memory_space<semaphore_mem>>) src(%dma_wait3A_589 : memref<32x128xf32, #tpu.memory_space<hbm>>) dst(%arg23 : memref<32x128xf32, #tpu.memory_space<vmem>>)
      %dma_wait3A_590 = arith.constant 0 : i32
      %dma_wait3A_591 = arith.constant 0 : i32
      %dma_wait3A_592 = tpu.memref_slice %arg5[%dma_wait3A_590, %dma_wait3A_591] : memref<32x1000000xf32, #tpu.memory_space<hbm>> -> memref<32x128xf32, #tpu.memory_space<hbm>>
      %dma_wait3A_593 = arith.constant 0 : i32
      %dma_wait3A_594 = arith.constant 0 : i32
      %dma_wait3A_595 = tpu.memref_slice %arg5[%dma_wait3A_593, %dma_wait3A_594] : memref<32x1000000xf32, #tpu.memory_space<hbm>> -> memref<32x128xf32, #tpu.memory_space<hbm>>
      tpu.wait_dma2 semaphore(%arg38 : memref<!tpu.dma_semaphore, #tpu.memory_space<semaphore_mem>>) src(%dma_wait3A_595 : memref<32x128xf32, #tpu.memory_space<hbm>>) dst(%arg24 : memref<32x128xf32, #tpu.memory_space<vmem>>)
      %dma_wait3A_596 = arith.constant 0 : i32
      %dma_wait3A_597 = arith.constant 0 : i32
      %dma_wait3A_598 = tpu.memref_slice %arg6[%dma_wait3A_596, %dma_wait3A_597] : memref<32x1000000xf32, #tpu.memory_space<hbm>> -> memref<32x128xf32, #tpu.memory_space<hbm>>
      %dma_wait3A_599 = arith.constant 0 : i32
      %dma_wait3A_600 = arith.constant 0 : i32
      %dma_wait3A_601 = tpu.memref_slice %arg6[%dma_wait3A_599, %dma_wait3A_600] : memref<32x1000000xf32, #tpu.memory_space<hbm>> -> memref<32x128xf32, #tpu.memory_space<hbm>>
      tpu.wait_dma2 semaphore(%arg38 : memref<!tpu.dma_semaphore, #tpu.memory_space<semaphore_mem>>) src(%dma_wait3A_601 : memref<32x128xf32, #tpu.memory_space<hbm>>) dst(%arg25 : memref<32x128xf32, #tpu.memory_space<vmem>>)
      %dma_wait3A_602 = arith.constant 0 : i32
      %dma_wait3A_603 = arith.constant 0 : i32
      %dma_wait3A_604 = tpu.memref_slice %arg7[%dma_wait3A_602, %dma_wait3A_603] : memref<32x1000000xf32, #tpu.memory_space<hbm>> -> memref<32x128xf32, #tpu.memory_space<hbm>>
      %dma_wait3A_605 = arith.constant 0 : i32
      %dma_wait3A_606 = arith.constant 0 : i32
      %dma_wait3A_607 = tpu.memref_slice %arg7[%dma_wait3A_605, %dma_wait3A_606] : memref<32x1000000xf32, #tpu.memory_space<hbm>> -> memref<32x128xf32, #tpu.memory_space<hbm>>
      tpu.wait_dma2 semaphore(%arg38 : memref<!tpu.dma_semaphore, #tpu.memory_space<semaphore_mem>>) src(%dma_wait3A_607 : memref<32x128xf32, #tpu.memory_space<hbm>>) dst(%arg26 : memref<32x128xf32, #tpu.memory_space<vmem>>)
      %get3A_608 = arith.index_cast %add3A_583 : i32 to index
      %get3A_609 = tpu.vector_load %arg13[%get3A_608] {strides = array<i32>} : memref<528xi32, #tpu.memory_space<vmem>>, vector<16xi32>,
      %slice3A_610 = vector.extract_strided_slice %get3A_609 {offsets = [0], sizes = [1], strides = [1]} : vector<16xi32> to vector<1xi32>
      %squeeze3A_611 = vector.extract %slice3A_610[0] : i32 from vector<1xi32>
      %get3A_612 = arith.index_cast %add3A_583 : i32 to index
      %get3A_613 = tpu.vector_load %arg14[%get3A_612] {strides = array<i32>} : memref<528xi32, #tpu.memory_space<vmem>>, vector<16xi32>,
      %slice3A_614 = vector.extract_strided_slice %get3A_613 {offsets = [0], sizes = [1], strides = [1]} : vector<16xi32> to vector<1xi32>
      %squeeze3A_615 = vector.extract %slice3A_614[0] : i32 from vector<1xi32>
      %and3A_616 = arith.constant 127 : i32
      %and3A_617 = arith.andi %squeeze3A_611, %and3A_616 : i32
      %broadcast_in_dim3A_618 = vector.broadcast %and3A_617 : i32 to vector<16xi32>
      %and3A_619 = arith.constant 127 : i32
      %and3A_620 = arith.andi %squeeze3A_615, %and3A_619 : i32
      %broadcast_in_dim3A_621 = vector.broadcast %and3A_620 : i32 to vector<16xi32>
      %gather3A_622 = tpu.vector_load_idx %arg23[%iota3A, %broadcast_in_dim3A_618] : memref<32x128xf32, #tpu.memory_space<vmem>>[vector<16xi32>, vector<16xi32>], vector<16xf32>,
      %gather3A_623 = tpu.vector_load_idx %arg23[%add3A_5, %broadcast_in_dim3A_618] : memref<32x128xf32, #tpu.memory_space<vmem>>[vector<16xi32>, vector<16xi32>], vector<16xf32>,
      %gather3A_624 = tpu.vector_load_idx %arg24[%iota3A, %broadcast_in_dim3A_618] : memref<32x128xf32, #tpu.memory_space<vmem>>[vector<16xi32>, vector<16xi32>], vector<16xf32>,
      %gather3A_625 = tpu.vector_load_idx %arg24[%add3A_5, %broadcast_in_dim3A_618] : memref<32x128xf32, #tpu.memory_space<vmem>>[vector<16xi32>, vector<16xi32>], vector<16xf32>,
      %gather3A_626 = tpu.vector_load_idx %arg25[%iota3A, %broadcast_in_dim3A_621] : memref<32x128xf32, #tpu.memory_space<vmem>>[vector<16xi32>, vector<16xi32>], vector<16xf32>,
      %gather3A_627 = tpu.vector_load_idx %arg25[%add3A_5, %broadcast_in_dim3A_621] : memref<32x128xf32, #tpu.memory_space<vmem>>[vector<16xi32>, vector<16xi32>], vector<16xf32>,
      %gather3A_628 = tpu.vector_load_idx %arg26[%iota3A, %broadcast_in_dim3A_621] : memref<32x128xf32, #tpu.memory_space<vmem>>[vector<16xi32>, vector<16xi32>], vector<16xf32>,
      %gather3A_629 = tpu.vector_load_idx %arg26[%add3A_5, %broadcast_in_dim3A_621] : memref<32x128xf32, #tpu.memory_space<vmem>>[vector<16xi32>, vector<16xi32>], vector<16xf32>,
      %and3A_630 = arith.constant 255 : i32
      %and3A_631 = arith.andi %add3A_583, %and3A_630 : i32
      %mul3A_632 = arith.constant 32 : i32
      %mul3A_633 = arith.muli %and3A_631, %mul3A_632 : i32
      %multiple_of3A_634 = tpu.assume_multiple %mul3A_633, 32 : i32
      %and3A_635 = arith.constant 255 : i32
      %and3A_636 = arith.andi %add3A_583, %and3A_635 : i32
      %mul3A_637 = arith.constant 32 : i32
      %mul3A_638 = arith.muli %and3A_636, %mul3A_637 : i32
      %add3A_639 = arith.constant 16 : i32
      %add3A_640 = arith.addi %mul3A_638, %add3A_639 : i32
      %multiple_of3A_641 = tpu.assume_multiple %add3A_640, 16 : i32
      %swap3A_642 = arith.index_cast %multiple_of3A_634 : i32 to index
      %swap3A_643 = tpu.vector_load %arg31[%swap3A_642] {strides = array<i32>} : memref<8192xf32, #tpu.memory_space<vmem>>, vector<16xf32>,
      tpu.vector_store %arg31[%swap3A_642], %gather3A_622 {strides = array<i32>} : memref<8192xf32, #tpu.memory_space<vmem>>, vector<16xf32>,
      %swap3A_644 = arith.index_cast %multiple_of3A_641 : i32 to index
      %swap3A_645 = tpu.vector_load %arg31[%swap3A_644] {strides = array<i32>} : memref<8192xf32, #tpu.memory_space<vmem>>, vector<16xf32>,
      tpu.vector_store %arg31[%swap3A_644], %gather3A_623 {strides = array<i32>} : memref<8192xf32, #tpu.memory_space<vmem>>, vector<16xf32>,
      %swap3A_646 = arith.index_cast %multiple_of3A_634 : i32 to index
      %swap3A_647 = tpu.vector_load %arg32[%swap3A_646] {strides = array<i32>} : memref<8192xf32, #tpu.memory_space<vmem>>, vector<16xf32>,
      tpu.vector_store %arg32[%swap3A_646], %gather3A_624 {strides = array<i32>} : memref<8192xf32, #tpu.memory_space<vmem>>, vector<16xf32>,
      %swap3A_648 = arith.index_cast %multiple_of3A_641 : i32 to index
      %swap3A_649 = tpu.vector_load %arg32[%swap3A_648] {strides = array<i32>} : memref<8192xf32, #tpu.memory_space<vmem>>, vector<16xf32>,
      tpu.vector_store %arg32[%swap3A_648], %gather3A_625 {strides = array<i32>} : memref<8192xf32, #tpu.memory_space<vmem>>, vector<16xf32>,
      %swap3A_650 = arith.index_cast %multiple_of3A_634 : i32 to index
      %swap3A_651 = tpu.vector_load %arg33[%swap3A_650] {strides = array<i32>} : memref<8192xf32, #tpu.memory_space<vmem>>, vector<16xf32>,
      tpu.vector_store %arg33[%swap3A_650], %gather3A_626 {strides = array<i32>} : memref<8192xf32, #tpu.memory_space<vmem>>, vector<16xf32>,
      %swap3A_652 = arith.index_cast %multiple_of3A_641 : i32 to index
      %swap3A_653 = tpu.vector_load %arg33[%swap3A_652] {strides = array<i32>} : memref<8192xf32, #tpu.memory_space<vmem>>, vector<16xf32>,
      tpu.vector_store %arg33[%swap3A_652], %gather3A_627 {strides = array<i32>} : memref<8192xf32, #tpu.memory_space<vmem>>, vector<16xf32>,
      %swap3A_654 = arith.index_cast %multiple_of3A_634 : i32 to index
      %swap3A_655 = tpu.vector_load %arg34[%swap3A_654] {strides = array<i32>} : memref<8192xf32, #tpu.memory_space<vmem>>, vector<16xf32>,
      tpu.vector_store %arg34[%swap3A_654], %gather3A_628 {strides = array<i32>} : memref<8192xf32, #tpu.memory_space<vmem>>, vector<16xf32>,
      %swap3A_656 = arith.index_cast %multiple_of3A_641 : i32 to index
      %swap3A_657 = tpu.vector_load %arg34[%swap3A_656] {strides = array<i32>} : memref<8192xf32, #tpu.memory_space<vmem>>, vector<16xf32>,
      tpu.vector_store %arg34[%swap3A_656], %gather3A_629 {strides = array<i32>} : memref<8192xf32, #tpu.memory_space<vmem>>, vector<16xf32>,
      %add3A_658 = arith.addf %gather3A_622, %gather3A_624 : vector<16xf32>
      %add3A_659 = arith.addf %gather3A_626, %gather3A_628 : vector<16xf32>
      %mul3A_660 = arith.mulf %add3A_658, %add3A_659 : vector<16xf32>
      %add3A_661 = arith.addf %gather3A_623, %gather3A_625 : vector<16xf32>
      %add3A_662 = arith.addf %gather3A_627, %gather3A_629 : vector<16xf32>
      %mul3A_663 = arith.mulf %add3A_661, %add3A_662 : vector<16xf32>
      %add3A_664 = arith.addf %mul3A_660, %mul3A_663 : vector<16xf32>
      %reduce_sum3A_665 = arith.constant true
      %reduce_sum3A_666 = vector.broadcast %reduce_sum3A_665 : i1 to vector<16xi1>
      %reduce_sum3A_667 = tpu.scan <sum>, %add3A_664 masked %reduce_sum3A_666 : vector<16xf32>, vector<16xi1> -> vector<16xf32>
      %reduce_sum3A_668 = vector.extract %reduce_sum3A_667[15] : f32 from vector<16xf32>
      %broadcast_in_dim3A_669 = vector.broadcast %add3A_583 : i32 to vector<16xi32>
      %broadcast_in_dim3A_670 = vector.broadcast %reduce_sum3A_668 : f32 to vector<16xf32>
      tpu.vector_store_idx %arg35[%broadcast_in_dim3A_669], %broadcast_in_dim3A_670 masked %eq3A_7 : memref<512xf32, #tpu.memory_space<vmem>>[vector<16xi32>], vector<16xf32>, vector<16xi1>
      %add3A_671 = arith.constant 4 : i32
      %add3A_672 = arith.addi %add3A_583, %add3A_671 : i32
      %min3A_673 = arith.constant 511 : i32
      %min3A_674 = arith.minsi %add3A_672, %min3A_673 : i32
      %get3A_675 = arith.index_cast %min3A_674 : i32 to index
      %get3A_676 = tpu.vector_load %arg13[%get3A_675] {strides = array<i32>} : memref<528xi32, #tpu.memory_space<vmem>>, vector<16xi32>,
      %slice3A_677 = vector.extract_strided_slice %get3A_676 {offsets = [0], sizes = [1], strides = [1]} : vector<16xi32> to vector<1xi32>
      %squeeze3A_678 = vector.extract %slice3A_677[0] : i32 from vector<1xi32>
      %get3A_679 = arith.index_cast %min3A_674 : i32 to index
      %get3A_680 = tpu.vector_load %arg14[%get3A_679] {strides = array<i32>} : memref<528xi32, #tpu.memory_space<vmem>>, vector<16xi32>,
      %slice3A_681 = vector.extract_strided_slice %get3A_680 {offsets = [0], sizes = [1], strides = [1]} : vector<16xi32> to vector<1xi32>
      %squeeze3A_682 = vector.extract %slice3A_681[0] : i32 from vector<1xi32>
      %shift_right_logical3A_683 = arith.constant 7 : i32
      %shift_right_logical3A_684 = arith.shrui %squeeze3A_678, %shift_right_logical3A_683 : i32
      %shift_left3A_685 = arith.constant 7 : i32
      %shift_left3A_686 = arith.shli %shift_right_logical3A_684, %shift_left3A_685 : i32
      %multiple_of3A_687 = tpu.assume_multiple %shift_left3A_686, 128 : i32
      %shift_right_logical3A_688 = arith.constant 7 : i32
      %shift_right_logical3A_689 = arith.shrui %squeeze3A_682, %shift_right_logical3A_688 : i32
      %shift_left3A_690 = arith.constant 7 : i32
      %shift_left3A_691 = arith.shli %shift_right_logical3A_689, %shift_left3A_690 : i32
      %multiple_of3A_692 = tpu.assume_multiple %shift_left3A_691, 128 : i32
      %dma_start3A_693 = arith.constant 0 : i32
      %dma_start3A_694 = tpu.memref_slice %arg4[%dma_start3A_693, %multiple_of3A_687] : memref<32x1000000xf32, #tpu.memory_space<hbm>> -> memref<32x128xf32, #tpu.memory_space<hbm>>
      %dma_start3A_695 = arith.constant 0 : i32
      %dma_start3A_696 = tpu.memref_slice %arg4[%dma_start3A_695, %multiple_of3A_687] : memref<32x1000000xf32, #tpu.memory_space<hbm>> -> memref<32x128xf32, #tpu.memory_space<hbm>>
      tpu.enqueue_dma source(%dma_start3A_696 : memref<32x128xf32, #tpu.memory_space<hbm>>) target(%arg23 : memref<32x128xf32, #tpu.memory_space<vmem>>) target_semaphore(%arg38 : memref<!tpu.dma_semaphore, #tpu.memory_space<semaphore_mem>>)
      %dma_start3A_697 = arith.constant 0 : i32
      %dma_start3A_698 = tpu.memref_slice %arg5[%dma_start3A_697, %multiple_of3A_687] : memref<32x1000000xf32, #tpu.memory_space<hbm>> -> memref<32x128xf32, #tpu.memory_space<hbm>>
      %dma_start3A_699 = arith.constant 0 : i32
      %dma_start3A_700 = tpu.memref_slice %arg5[%dma_start3A_699, %multiple_of3A_687] : memref<32x1000000xf32, #tpu.memory_space<hbm>> -> memref<32x128xf32, #tpu.memory_space<hbm>>
      tpu.enqueue_dma source(%dma_start3A_700 : memref<32x128xf32, #tpu.memory_space<hbm>>) target(%arg24 : memref<32x128xf32, #tpu.memory_space<vmem>>) target_semaphore(%arg38 : memref<!tpu.dma_semaphore, #tpu.memory_space<semaphore_mem>>)
      %dma_start3A_701 = arith.constant 0 : i32
      %dma_start3A_702 = tpu.memref_slice %arg6[%dma_start3A_701, %multiple_of3A_692] : memref<32x1000000xf32, #tpu.memory_space<hbm>> -> memref<32x128xf32, #tpu.memory_space<hbm>>
      %dma_start3A_703 = arith.constant 0 : i32
      %dma_start3A_704 = tpu.memref_slice %arg6[%dma_start3A_703, %multiple_of3A_692] : memref<32x1000000xf32, #tpu.memory_space<hbm>> -> memref<32x128xf32, #tpu.memory_space<hbm>>
      tpu.enqueue_dma source(%dma_start3A_704 : memref<32x128xf32, #tpu.memory_space<hbm>>) target(%arg25 : memref<32x128xf32, #tpu.memory_space<vmem>>) target_semaphore(%arg38 : memref<!tpu.dma_semaphore, #tpu.memory_space<semaphore_mem>>)
      %dma_start3A_705 = arith.constant 0 : i32
      %dma_start3A_706 = tpu.memref_slice %arg7[%dma_start3A_705, %multiple_of3A_692] : memref<32x1000000xf32, #tpu.memory_space<hbm>> -> memref<32x128xf32, #tpu.memory_space<hbm>>
      %dma_start3A_707 = arith.constant 0 : i32
      %dma_start3A_708 = tpu.memref_slice %arg7[%dma_start3A_707, %multiple_of3A_692] : memref<32x1000000xf32, #tpu.memory_space<hbm>> -> memref<32x128xf32, #tpu.memory_space<hbm>>
      tpu.enqueue_dma source(%dma_start3A_708 : memref<32x128xf32, #tpu.memory_space<hbm>>) target(%arg26 : memref<32x128xf32, #tpu.memory_space<vmem>>) target_semaphore(%arg38 : memref<!tpu.dma_semaphore, #tpu.memory_space<semaphore_mem>>)
      %mul3A_709 = arith.constant 4 : i32
      %mul3A_710 = arith.muli %scan3A_319, %mul3A_709 : i32
      %add3A_711 = arith.constant 3 : i32
      %add3A_712 = arith.addi %mul3A_710, %add3A_711 : i32
      %dma_wait3A_713 = arith.constant 0 : i32
      %dma_wait3A_714 = arith.constant 0 : i32
      %dma_wait3A_715 = tpu.memref_slice %arg4[%dma_wait3A_713, %dma_wait3A_714] : memref<32x1000000xf32, #tpu.memory_space<hbm>> -> memref<32x128xf32, #tpu.memory_space<hbm>>
      %dma_wait3A_716 = arith.constant 0 : i32
      %dma_wait3A_717 = arith.constant 0 : i32
      %dma_wait3A_718 = tpu.memref_slice %arg4[%dma_wait3A_716, %dma_wait3A_717] : memref<32x1000000xf32, #tpu.memory_space<hbm>> -> memref<32x128xf32, #tpu.memory_space<hbm>>
      tpu.wait_dma2 semaphore(%arg39 : memref<!tpu.dma_semaphore, #tpu.memory_space<semaphore_mem>>) src(%dma_wait3A_718 : memref<32x128xf32, #tpu.memory_space<hbm>>) dst(%arg27 : memref<32x128xf32, #tpu.memory_space<vmem>>)
      %dma_wait3A_719 = arith.constant 0 : i32
      %dma_wait3A_720 = arith.constant 0 : i32
      %dma_wait3A_721 = tpu.memref_slice %arg5[%dma_wait3A_719, %dma_wait3A_720] : memref<32x1000000xf32, #tpu.memory_space<hbm>> -> memref<32x128xf32, #tpu.memory_space<hbm>>
      %dma_wait3A_722 = arith.constant 0 : i32
      %dma_wait3A_723 = arith.constant 0 : i32
      %dma_wait3A_724 = tpu.memref_slice %arg5[%dma_wait3A_722, %dma_wait3A_723] : memref<32x1000000xf32, #tpu.memory_space<hbm>> -> memref<32x128xf32, #tpu.memory_space<hbm>>
      tpu.wait_dma2 semaphore(%arg39 : memref<!tpu.dma_semaphore, #tpu.memory_space<semaphore_mem>>) src(%dma_wait3A_724 : memref<32x128xf32, #tpu.memory_space<hbm>>) dst(%arg28 : memref<32x128xf32, #tpu.memory_space<vmem>>)
      %dma_wait3A_725 = arith.constant 0 : i32
      %dma_wait3A_726 = arith.constant 0 : i32
      %dma_wait3A_727 = tpu.memref_slice %arg6[%dma_wait3A_725, %dma_wait3A_726] : memref<32x1000000xf32, #tpu.memory_space<hbm>> -> memref<32x128xf32, #tpu.memory_space<hbm>>
      %dma_wait3A_728 = arith.constant 0 : i32
      %dma_wait3A_729 = arith.constant 0 : i32
      %dma_wait3A_730 = tpu.memref_slice %arg6[%dma_wait3A_728, %dma_wait3A_729] : memref<32x1000000xf32, #tpu.memory_space<hbm>> -> memref<32x128xf32, #tpu.memory_space<hbm>>
      tpu.wait_dma2 semaphore(%arg39 : memref<!tpu.dma_semaphore, #tpu.memory_space<semaphore_mem>>) src(%dma_wait3A_730 : memref<32x128xf32, #tpu.memory_space<hbm>>) dst(%arg29 : memref<32x128xf32, #tpu.memory_space<vmem>>)
      %dma_wait3A_731 = arith.constant 0 : i32
      %dma_wait3A_732 = arith.constant 0 : i32
      %dma_wait3A_733 = tpu.memref_slice %arg7[%dma_wait3A_731, %dma_wait3A_732] : memref<32x1000000xf32, #tpu.memory_space<hbm>> -> memref<32x128xf32, #tpu.memory_space<hbm>>
      %dma_wait3A_734 = arith.constant 0 : i32
      %dma_wait3A_735 = arith.constant 0 : i32
      %dma_wait3A_736 = tpu.memref_slice %arg7[%dma_wait3A_734, %dma_wait3A_735] : memref<32x1000000xf32, #tpu.memory_space<hbm>> -> memref<32x128xf32, #tpu.memory_space<hbm>>
      tpu.wait_dma2 semaphore(%arg39 : memref<!tpu.dma_semaphore, #tpu.memory_space<semaphore_mem>>) src(%dma_wait3A_736 : memref<32x128xf32, #tpu.memory_space<hbm>>) dst(%arg30 : memref<32x128xf32, #tpu.memory_space<vmem>>)
      %get3A_737 = arith.index_cast %add3A_712 : i32 to index
      %get3A_738 = tpu.vector_load %arg13[%get3A_737] {strides = array<i32>} : memref<528xi32, #tpu.memory_space<vmem>>, vector<16xi32>,
      %slice3A_739 = vector.extract_strided_slice %get3A_738 {offsets = [0], sizes = [1], strides = [1]} : vector<16xi32> to vector<1xi32>
      %squeeze3A_740 = vector.extract %slice3A_739[0] : i32 from vector<1xi32>
      %get3A_741 = arith.index_cast %add3A_712 : i32 to index
      %get3A_742 = tpu.vector_load %arg14[%get3A_741] {strides = array<i32>} : memref<528xi32, #tpu.memory_space<vmem>>, vector<16xi32>,
      %slice3A_743 = vector.extract_strided_slice %get3A_742 {offsets = [0], sizes = [1], strides = [1]} : vector<16xi32> to vector<1xi32>
      %squeeze3A_744 = vector.extract %slice3A_743[0] : i32 from vector<1xi32>
      %and3A_745 = arith.constant 127 : i32
      %and3A_746 = arith.andi %squeeze3A_740, %and3A_745 : i32
      %broadcast_in_dim3A_747 = vector.broadcast %and3A_746 : i32 to vector<16xi32>
      %and3A_748 = arith.constant 127 : i32
      %and3A_749 = arith.andi %squeeze3A_744, %and3A_748 : i32
      %broadcast_in_dim3A_750 = vector.broadcast %and3A_749 : i32 to vector<16xi32>
      %gather3A_751 = tpu.vector_load_idx %arg27[%iota3A, %broadcast_in_dim3A_747] : memref<32x128xf32, #tpu.memory_space<vmem>>[vector<16xi32>, vector<16xi32>], vector<16xf32>,
      %gather3A_752 = tpu.vector_load_idx %arg27[%add3A_5, %broadcast_in_dim3A_747] : memref<32x128xf32, #tpu.memory_space<vmem>>[vector<16xi32>, vector<16xi32>], vector<16xf32>,
      %gather3A_753 = tpu.vector_load_idx %arg28[%iota3A, %broadcast_in_dim3A_747] : memref<32x128xf32, #tpu.memory_space<vmem>>[vector<16xi32>, vector<16xi32>], vector<16xf32>,
      %gather3A_754 = tpu.vector_load_idx %arg28[%add3A_5, %broadcast_in_dim3A_747] : memref<32x128xf32, #tpu.memory_space<vmem>>[vector<16xi32>, vector<16xi32>], vector<16xf32>,
      %gather3A_755 = tpu.vector_load_idx %arg29[%iota3A, %broadcast_in_dim3A_750] : memref<32x128xf32, #tpu.memory_space<vmem>>[vector<16xi32>, vector<16xi32>], vector<16xf32>,
      %gather3A_756 = tpu.vector_load_idx %arg29[%add3A_5, %broadcast_in_dim3A_750] : memref<32x128xf32, #tpu.memory_space<vmem>>[vector<16xi32>, vector<16xi32>], vector<16xf32>,
      %gather3A_757 = tpu.vector_load_idx %arg30[%iota3A, %broadcast_in_dim3A_750] : memref<32x128xf32, #tpu.memory_space<vmem>>[vector<16xi32>, vector<16xi32>], vector<16xf32>,
      %gather3A_758 = tpu.vector_load_idx %arg30[%add3A_5, %broadcast_in_dim3A_750] : memref<32x128xf32, #tpu.memory_space<vmem>>[vector<16xi32>, vector<16xi32>], vector<16xf32>,
      %and3A_759 = arith.constant 255 : i32
      %and3A_760 = arith.andi %add3A_712, %and3A_759 : i32
      %mul3A_761 = arith.constant 32 : i32
      %mul3A_762 = arith.muli %and3A_760, %mul3A_761 : i32
      %multiple_of3A_763 = tpu.assume_multiple %mul3A_762, 32 : i32
      %and3A_764 = arith.constant 255 : i32
      %and3A_765 = arith.andi %add3A_712, %and3A_764 : i32
      %mul3A_766 = arith.constant 32 : i32
      %mul3A_767 = arith.muli %and3A_765, %mul3A_766 : i32
      %add3A_768 = arith.constant 16 : i32
      %add3A_769 = arith.addi %mul3A_767, %add3A_768 : i32
      %multiple_of3A_770 = tpu.assume_multiple %add3A_769, 16 : i32
      %swap3A_771 = arith.index_cast %multiple_of3A_763 : i32 to index
      %swap3A_772 = tpu.vector_load %arg31[%swap3A_771] {strides = array<i32>} : memref<8192xf32, #tpu.memory_space<vmem>>, vector<16xf32>,
      tpu.vector_store %arg31[%swap3A_771], %gather3A_751 {strides = array<i32>} : memref<8192xf32, #tpu.memory_space<vmem>>, vector<16xf32>,
      %swap3A_773 = arith.index_cast %multiple_of3A_770 : i32 to index
      %swap3A_774 = tpu.vector_load %arg31[%swap3A_773] {strides = array<i32>} : memref<8192xf32, #tpu.memory_space<vmem>>, vector<16xf32>,
      tpu.vector_store %arg31[%swap3A_773], %gather3A_752 {strides = array<i32>} : memref<8192xf32, #tpu.memory_space<vmem>>, vector<16xf32>,
      %swap3A_775 = arith.index_cast %multiple_of3A_763 : i32 to index
      %swap3A_776 = tpu.vector_load %arg32[%swap3A_775] {strides = array<i32>} : memref<8192xf32, #tpu.memory_space<vmem>>, vector<16xf32>,
      tpu.vector_store %arg32[%swap3A_775], %gather3A_753 {strides = array<i32>} : memref<8192xf32, #tpu.memory_space<vmem>>, vector<16xf32>,
      %swap3A_777 = arith.index_cast %multiple_of3A_770 : i32 to index
      %swap3A_778 = tpu.vector_load %arg32[%swap3A_777] {strides = array<i32>} : memref<8192xf32, #tpu.memory_space<vmem>>, vector<16xf32>,
      tpu.vector_store %arg32[%swap3A_777], %gather3A_754 {strides = array<i32>} : memref<8192xf32, #tpu.memory_space<vmem>>, vector<16xf32>,
      %swap3A_779 = arith.index_cast %multiple_of3A_763 : i32 to index
      %swap3A_780 = tpu.vector_load %arg33[%swap3A_779] {strides = array<i32>} : memref<8192xf32, #tpu.memory_space<vmem>>, vector<16xf32>,
      tpu.vector_store %arg33[%swap3A_779], %gather3A_755 {strides = array<i32>} : memref<8192xf32, #tpu.memory_space<vmem>>, vector<16xf32>,
      %swap3A_781 = arith.index_cast %multiple_of3A_770 : i32 to index
      %swap3A_782 = tpu.vector_load %arg33[%swap3A_781] {strides = array<i32>} : memref<8192xf32, #tpu.memory_space<vmem>>, vector<16xf32>,
      tpu.vector_store %arg33[%swap3A_781], %gather3A_756 {strides = array<i32>} : memref<8192xf32, #tpu.memory_space<vmem>>, vector<16xf32>,
      %swap3A_783 = arith.index_cast %multiple_of3A_763 : i32 to index
      %swap3A_784 = tpu.vector_load %arg34[%swap3A_783] {strides = array<i32>} : memref<8192xf32, #tpu.memory_space<vmem>>, vector<16xf32>,
      tpu.vector_store %arg34[%swap3A_783], %gather3A_757 {strides = array<i32>} : memref<8192xf32, #tpu.memory_space<vmem>>, vector<16xf32>,
      %swap3A_785 = arith.index_cast %multiple_of3A_770 : i32 to index
      %swap3A_786 = tpu.vector_load %arg34[%swap3A_785] {strides = array<i32>} : memref<8192xf32, #tpu.memory_space<vmem>>, vector<16xf32>,
      tpu.vector_store %arg34[%swap3A_785], %gather3A_758 {strides = array<i32>} : memref<8192xf32, #tpu.memory_space<vmem>>, vector<16xf32>,
      %add3A_787 = arith.addf %gather3A_751, %gather3A_753 : vector<16xf32>
      %add3A_788 = arith.addf %gather3A_755, %gather3A_757 : vector<16xf32>
      %mul3A_789 = arith.mulf %add3A_787, %add3A_788 : vector<16xf32>
      %add3A_790 = arith.addf %gather3A_752, %gather3A_754 : vector<16xf32>
      %add3A_791 = arith.addf %gather3A_756, %gather3A_758 : vector<16xf32>
      %mul3A_792 = arith.mulf %add3A_790, %add3A_791 : vector<16xf32>
      %add3A_793 = arith.addf %mul3A_789, %mul3A_792 : vector<16xf32>
      %reduce_sum3A_794 = arith.constant true
      %reduce_sum3A_795 = vector.broadcast %reduce_sum3A_794 : i1 to vector<16xi1>
      %reduce_sum3A_796 = tpu.scan <sum>, %add3A_793 masked %reduce_sum3A_795 : vector<16xf32>, vector<16xi1> -> vector<16xf32>
      %reduce_sum3A_797 = vector.extract %reduce_sum3A_796[15] : f32 from vector<16xf32>
      %broadcast_in_dim3A_798 = vector.broadcast %add3A_712 : i32 to vector<16xi32>
      %broadcast_in_dim3A_799 = vector.broadcast %reduce_sum3A_797 : f32 to vector<16xf32>
      tpu.vector_store_idx %arg35[%broadcast_in_dim3A_798], %broadcast_in_dim3A_799 masked %eq3A_7 : memref<512xf32, #tpu.memory_space<vmem>>[vector<16xi32>], vector<16xf32>, vector<16xi1>
      %add3A_800 = arith.constant 4 : i32
      %add3A_801 = arith.addi %add3A_712, %add3A_800 : i32
      %min3A_802 = arith.constant 511 : i32
      %min3A_803 = arith.minsi %add3A_801, %min3A_802 : i32
      %get3A_804 = arith.index_cast %min3A_803 : i32 to index
      %get3A_805 = tpu.vector_load %arg13[%get3A_804] {strides = array<i32>} : memref<528xi32, #tpu.memory_space<vmem>>, vector<16xi32>,
      %slice3A_806 = vector.extract_strided_slice %get3A_805 {offsets = [0], sizes = [1], strides = [1]} : vector<16xi32> to vector<1xi32>
      %squeeze3A_807 = vector.extract %slice3A_806[0] : i32 from vector<1xi32>
      %get3A_808 = arith.index_cast %min3A_803 : i32 to index
      %get3A_809 = tpu.vector_load %arg14[%get3A_808] {strides = array<i32>} : memref<528xi32, #tpu.memory_space<vmem>>, vector<16xi32>,
      %slice3A_810 = vector.extract_strided_slice %get3A_809 {offsets = [0], sizes = [1], strides = [1]} : vector<16xi32> to vector<1xi32>
      %squeeze3A_811 = vector.extract %slice3A_810[0] : i32 from vector<1xi32>
      %shift_right_logical3A_812 = arith.constant 7 : i32
      %shift_right_logical3A_813 = arith.shrui %squeeze3A_807, %shift_right_logical3A_812 : i32
      %shift_left3A_814 = arith.constant 7 : i32
      %shift_left3A_815 = arith.shli %shift_right_logical3A_813, %shift_left3A_814 : i32
      %multiple_of3A_816 = tpu.assume_multiple %shift_left3A_815, 128 : i32
      %shift_right_logical3A_817 = arith.constant 7 : i32
      %shift_right_logical3A_818 = arith.shrui %squeeze3A_811, %shift_right_logical3A_817 : i32
      %shift_left3A_819 = arith.constant 7 : i32
      %shift_left3A_820 = arith.shli %shift_right_logical3A_818, %shift_left3A_819 : i32
      %multiple_of3A_821 = tpu.assume_multiple %shift_left3A_820, 128 : i32
      %dma_start3A_822 = arith.constant 0 : i32
      %dma_start3A_823 = tpu.memref_slice %arg4[%dma_start3A_822, %multiple_of3A_816] : memref<32x1000000xf32, #tpu.memory_space<hbm>> -> memref<32x128xf32, #tpu.memory_space<hbm>>
      %dma_start3A_824 = arith.constant 0 : i32
      %dma_start3A_825 = tpu.memref_slice %arg4[%dma_start3A_824, %multiple_of3A_816] : memref<32x1000000xf32, #tpu.memory_space<hbm>> -> memref<32x128xf32, #tpu.memory_space<hbm>>
      tpu.enqueue_dma source(%dma_start3A_825 : memref<32x128xf32, #tpu.memory_space<hbm>>) target(%arg27 : memref<32x128xf32, #tpu.memory_space<vmem>>) target_semaphore(%arg39 : memref<!tpu.dma_semaphore, #tpu.memory_space<semaphore_mem>>)
      %dma_start3A_826 = arith.constant 0 : i32
      %dma_start3A_827 = tpu.memref_slice %arg5[%dma_start3A_826, %multiple_of3A_816] : memref<32x1000000xf32, #tpu.memory_space<hbm>> -> memref<32x128xf32, #tpu.memory_space<hbm>>
      %dma_start3A_828 = arith.constant 0 : i32
      %dma_start3A_829 = tpu.memref_slice %arg5[%dma_start3A_828, %multiple_of3A_816] : memref<32x1000000xf32, #tpu.memory_space<hbm>> -> memref<32x128xf32, #tpu.memory_space<hbm>>
      tpu.enqueue_dma source(%dma_start3A_829 : memref<32x128xf32, #tpu.memory_space<hbm>>) target(%arg28 : memref<32x128xf32, #tpu.memory_space<vmem>>) target_semaphore(%arg39 : memref<!tpu.dma_semaphore, #tpu.memory_space<semaphore_mem>>)
      %dma_start3A_830 = arith.constant 0 : i32
      %dma_start3A_831 = tpu.memref_slice %arg6[%dma_start3A_830, %multiple_of3A_821] : memref<32x1000000xf32, #tpu.memory_space<hbm>> -> memref<32x128xf32, #tpu.memory_space<hbm>>
      %dma_start3A_832 = arith.constant 0 : i32
      %dma_start3A_833 = tpu.memref_slice %arg6[%dma_start3A_832, %multiple_of3A_821] : memref<32x1000000xf32, #tpu.memory_space<hbm>> -> memref<32x128xf32, #tpu.memory_space<hbm>>
      tpu.enqueue_dma source(%dma_start3A_833 : memref<32x128xf32, #tpu.memory_space<hbm>>) target(%arg29 : memref<32x128xf32, #tpu.memory_space<vmem>>) target_semaphore(%arg39 : memref<!tpu.dma_semaphore, #tpu.memory_space<semaphore_mem>>)
      %dma_start3A_834 = arith.constant 0 : i32
      %dma_start3A_835 = tpu.memref_slice %arg7[%dma_start3A_834, %multiple_of3A_821] : memref<32x1000000xf32, #tpu.memory_space<hbm>> -> memref<32x128xf32, #tpu.memory_space<hbm>>
      %dma_start3A_836 = arith.constant 0 : i32
      %dma_start3A_837 = tpu.memref_slice %arg7[%dma_start3A_836, %multiple_of3A_821] : memref<32x1000000xf32, #tpu.memory_space<hbm>> -> memref<32x128xf32, #tpu.memory_space<hbm>>
      tpu.enqueue_dma source(%dma_start3A_837 : memref<32x128xf32, #tpu.memory_space<hbm>>) target(%arg30 : memref<32x128xf32, #tpu.memory_space<vmem>>) target_semaphore(%arg39 : memref<!tpu.dma_semaphore, #tpu.memory_space<semaphore_mem>>)
      %and3A_838 = arith.constant 31 : i32
      %and3A_839 = arith.andi %scan3A_319, %and3A_838 : i32
      %eq3A_840 = arith.constant 31 : i32
      %eq3A_841 = arith.cmpi eq, %and3A_839, %eq3A_840 : i32
      %convert_element_type3A_842 = arith.extui %eq3A_841 : i1 to i32
      %cond3A_843 = arith.constant 0 : i32
      %cond3A_844 = arith.cmpi ne, %convert_element_type3A_842, %cond3A_843 : i32
      scf.if %cond3A_844 {
        %shift_right_arithmetic3A = arith.constant 5 : i32
        %shift_right_arithmetic3A_845 = arith.shrsi %scan3A_319, %shift_right_arithmetic3A : i32
        %mul3A_846 = arith.constant 32 : i32
        %mul3A_847 = arith.muli %multiple_of3A, %mul3A_846 : i32
        %mul3A_848 = arith.constant 128 : i32
        %mul3A_849 = arith.muli %shift_right_arithmetic3A_845, %mul3A_848 : i32
        %mul3A_850 = arith.constant 32 : i32
        %mul3A_851 = arith.muli %mul3A_849, %mul3A_850 : i32
        %add3A_852 = arith.addi %mul3A_847, %mul3A_851 : i32
        %multiple_of3A_853 = tpu.assume_multiple %add3A_852, 4096 : i32
        %and3A_854 = arith.constant 1 : i32
        %and3A_855 = arith.andi %shift_right_arithmetic3A_845, %and3A_854 : i32
        %mul3A_856 = arith.constant 128 : i32
        %mul3A_857 = arith.muli %and3A_855, %mul3A_856 : i32
        %mul3A_858 = arith.constant 32 : i32
        %mul3A_859 = arith.muli %mul3A_857, %mul3A_858 : i32
        %dma_start3A_860 = tpu.memref_slice %arg31[%mul3A_859] : memref<8192xf32, #tpu.memory_space<vmem>> -> memref<4096xf32, #tpu.memory_space<vmem>>
        %dma_start3A_861 = tpu.memref_slice %arg9[%multiple_of3A_853] : memref<524288xf32, #tpu.memory_space<hbm>> -> memref<4096xf32, #tpu.memory_space<hbm>>
        %dma_start3A_862 = tpu.memref_slice %arg9[%multiple_of3A_853] : memref<524288xf32, #tpu.memory_space<hbm>> -> memref<4096xf32, #tpu.memory_space<hbm>>
        %dma_start3A_863 = tpu.memref_slice %arg31[%mul3A_859] : memref<8192xf32, #tpu.memory_space<vmem>> -> memref<4096xf32, #tpu.memory_space<vmem>>
        tpu.enqueue_dma source(%dma_start3A_863 : memref<4096xf32, #tpu.memory_space<vmem>>) target(%dma_start3A_862 : memref<4096xf32, #tpu.memory_space<hbm>>) target_semaphore(%arg40 : memref<!tpu.dma_semaphore, #tpu.memory_space<semaphore_mem>>)
        %dma_start3A_864 = tpu.memref_slice %arg32[%mul3A_859] : memref<8192xf32, #tpu.memory_space<vmem>> -> memref<4096xf32, #tpu.memory_space<vmem>>
        %dma_start3A_865 = tpu.memref_slice %arg10[%multiple_of3A_853] : memref<524288xf32, #tpu.memory_space<hbm>> -> memref<4096xf32, #tpu.memory_space<hbm>>
        %dma_start3A_866 = tpu.memref_slice %arg10[%multiple_of3A_853] : memref<524288xf32, #tpu.memory_space<hbm>> -> memref<4096xf32, #tpu.memory_space<hbm>>
        %dma_start3A_867 = tpu.memref_slice %arg32[%mul3A_859] : memref<8192xf32, #tpu.memory_space<vmem>> -> memref<4096xf32, #tpu.memory_space<vmem>>
        tpu.enqueue_dma source(%dma_start3A_867 : memref<4096xf32, #tpu.memory_space<vmem>>) target(%dma_start3A_866 : memref<4096xf32, #tpu.memory_space<hbm>>) target_semaphore(%arg40 : memref<!tpu.dma_semaphore, #tpu.memory_space<semaphore_mem>>)
        %dma_start3A_868 = tpu.memref_slice %arg33[%mul3A_859] : memref<8192xf32, #tpu.memory_space<vmem>> -> memref<4096xf32, #tpu.memory_space<vmem>>
        %dma_start3A_869 = tpu.memref_slice %arg11[%multiple_of3A_853] : memref<524288xf32, #tpu.memory_space<hbm>> -> memref<4096xf32, #tpu.memory_space<hbm>>
        %dma_start3A_870 = tpu.memref_slice %arg11[%multiple_of3A_853] : memref<524288xf32, #tpu.memory_space<hbm>> -> memref<4096xf32, #tpu.memory_space<hbm>>
        %dma_start3A_871 = tpu.memref_slice %arg33[%mul3A_859] : memref<8192xf32, #tpu.memory_space<vmem>> -> memref<4096xf32, #tpu.memory_space<vmem>>
        tpu.enqueue_dma source(%dma_start3A_871 : memref<4096xf32, #tpu.memory_space<vmem>>) target(%dma_start3A_870 : memref<4096xf32, #tpu.memory_space<hbm>>) target_semaphore(%arg40 : memref<!tpu.dma_semaphore, #tpu.memory_space<semaphore_mem>>)
        %dma_start3A_872 = tpu.memref_slice %arg34[%mul3A_859] : memref<8192xf32, #tpu.memory_space<vmem>> -> memref<4096xf32, #tpu.memory_space<vmem>>
        %dma_start3A_873 = tpu.memref_slice %arg12[%multiple_of3A_853] : memref<524288xf32, #tpu.memory_space<hbm>> -> memref<4096xf32, #tpu.memory_space<hbm>>
        %dma_start3A_874 = tpu.memref_slice %arg12[%multiple_of3A_853] : memref<524288xf32, #tpu.memory_space<hbm>> -> memref<4096xf32, #tpu.memory_space<hbm>>
        %dma_start3A_875 = tpu.memref_slice %arg34[%mul3A_859] : memref<8192xf32, #tpu.memory_space<vmem>> -> memref<4096xf32, #tpu.memory_space<vmem>>
        tpu.enqueue_dma source(%dma_start3A_875 : memref<4096xf32, #tpu.memory_space<vmem>>) target(%dma_start3A_874 : memref<4096xf32, #tpu.memory_space<hbm>>) target_semaphore(%arg40 : memref<!tpu.dma_semaphore, #tpu.memory_space<semaphore_mem>>)
      } else {
      }
    }
    %scan3A_153 = arith.constant 128 : i32
    %dma_wait3A = arith.constant 0 : i32
    %dma_wait3A_154 = arith.constant 0 : i32
    %dma_wait3A_155 = tpu.memref_slice %arg4[%dma_wait3A, %dma_wait3A_154] : memref<32x1000000xf32, #tpu.memory_space<hbm>> -> memref<32x128xf32, #tpu.memory_space<hbm>>
    %dma_wait3A_156 = arith.constant 0 : i32
    %dma_wait3A_157 = arith.constant 0 : i32
    %dma_wait3A_158 = tpu.memref_slice %arg4[%dma_wait3A_156, %dma_wait3A_157] : memref<32x1000000xf32, #tpu.memory_space<hbm>> -> memref<32x128xf32, #tpu.memory_space<hbm>>
    tpu.wait_dma2 semaphore(%arg36 : memref<!tpu.dma_semaphore, #tpu.memory_space<semaphore_mem>>) src(%dma_wait3A_158 : memref<32x128xf32, #tpu.memory_space<hbm>>) dst(%arg15 : memref<32x128xf32, #tpu.memory_space<vmem>>)
    %dma_wait3A_159 = arith.constant 0 : i32
    %dma_wait3A_160 = arith.constant 0 : i32
    %dma_wait3A_161 = tpu.memref_slice %arg5[%dma_wait3A_159, %dma_wait3A_160] : memref<32x1000000xf32, #tpu.memory_space<hbm>> -> memref<32x128xf32, #tpu.memory_space<hbm>>
    %dma_wait3A_162 = arith.constant 0 : i32
    %dma_wait3A_163 = arith.constant 0 : i32
    %dma_wait3A_164 = tpu.memref_slice %arg5[%dma_wait3A_162, %dma_wait3A_163] : memref<32x1000000xf32, #tpu.memory_space<hbm>> -> memref<32x128xf32, #tpu.memory_space<hbm>>
    tpu.wait_dma2 semaphore(%arg36 : memref<!tpu.dma_semaphore, #tpu.memory_space<semaphore_mem>>) src(%dma_wait3A_164 : memref<32x128xf32, #tpu.memory_space<hbm>>) dst(%arg16 : memref<32x128xf32, #tpu.memory_space<vmem>>)
    %dma_wait3A_165 = arith.constant 0 : i32
    %dma_wait3A_166 = arith.constant 0 : i32
    %dma_wait3A_167 = tpu.memref_slice %arg6[%dma_wait3A_165, %dma_wait3A_166] : memref<32x1000000xf32, #tpu.memory_space<hbm>> -> memref<32x128xf32, #tpu.memory_space<hbm>>
    %dma_wait3A_168 = arith.constant 0 : i32
    %dma_wait3A_169 = arith.constant 0 : i32
    %dma_wait3A_170 = tpu.memref_slice %arg6[%dma_wait3A_168, %dma_wait3A_169] : memref<32x1000000xf32, #tpu.memory_space<hbm>> -> memref<32x128xf32, #tpu.memory_space<hbm>>
    tpu.wait_dma2 semaphore(%arg36 : memref<!tpu.dma_semaphore, #tpu.memory_space<semaphore_mem>>) src(%dma_wait3A_170 : memref<32x128xf32, #tpu.memory_space<hbm>>) dst(%arg17 : memref<32x128xf32, #tpu.memory_space<vmem>>)
    %dma_wait3A_171 = arith.constant 0 : i32
    %dma_wait3A_172 = arith.constant 0 : i32
    %dma_wait3A_173 = tpu.memref_slice %arg7[%dma_wait3A_171, %dma_wait3A_172] : memref<32x1000000xf32, #tpu.memory_space<hbm>> -> memref<32x128xf32, #tpu.memory_space<hbm>>
    %dma_wait3A_174 = arith.constant 0 : i32
    %dma_wait3A_175 = arith.constant 0 : i32
    %dma_wait3A_176 = tpu.memref_slice %arg7[%dma_wait3A_174, %dma_wait3A_175] : memref<32x1000000xf32, #tpu.memory_space<hbm>> -> memref<32x128xf32, #tpu.memory_space<hbm>>
    tpu.wait_dma2 semaphore(%arg36 : memref<!tpu.dma_semaphore, #tpu.memory_space<semaphore_mem>>) src(%dma_wait3A_176 : memref<32x128xf32, #tpu.memory_space<hbm>>) dst(%arg18 : memref<32x128xf32, #tpu.memory_space<vmem>>)
    %dma_wait3A_177 = arith.constant 0 : i32
    %dma_wait3A_178 = arith.constant 0 : i32
    %dma_wait3A_179 = tpu.memref_slice %arg4[%dma_wait3A_177, %dma_wait3A_178] : memref<32x1000000xf32, #tpu.memory_space<hbm>> -> memref<32x128xf32, #tpu.memory_space<hbm>>
    %dma_wait3A_180 = arith.constant 0 : i32
    %dma_wait3A_181 = arith.constant 0 : i32
    %dma_wait3A_182 = tpu.memref_slice %arg4[%dma_wait3A_180, %dma_wait3A_181] : memref<32x1000000xf32, #tpu.memory_space<hbm>> -> memref<32x128xf32, #tpu.memory_space<hbm>>
    tpu.wait_dma2 semaphore(%arg37 : memref<!tpu.dma_semaphore, #tpu.memory_space<semaphore_mem>>) src(%dma_wait3A_182 : memref<32x128xf32, #tpu.memory_space<hbm>>) dst(%arg19 : memref<32x128xf32, #tpu.memory_space<vmem>>)
    %dma_wait3A_183 = arith.constant 0 : i32
    %dma_wait3A_184 = arith.constant 0 : i32
    %dma_wait3A_185 = tpu.memref_slice %arg5[%dma_wait3A_183, %dma_wait3A_184] : memref<32x1000000xf32, #tpu.memory_space<hbm>> -> memref<32x128xf32, #tpu.memory_space<hbm>>
    %dma_wait3A_186 = arith.constant 0 : i32
    %dma_wait3A_187 = arith.constant 0 : i32
    %dma_wait3A_188 = tpu.memref_slice %arg5[%dma_wait3A_186, %dma_wait3A_187] : memref<32x1000000xf32, #tpu.memory_space<hbm>> -> memref<32x128xf32, #tpu.memory_space<hbm>>
    tpu.wait_dma2 semaphore(%arg37 : memref<!tpu.dma_semaphore, #tpu.memory_space<semaphore_mem>>) src(%dma_wait3A_188 : memref<32x128xf32, #tpu.memory_space<hbm>>) dst(%arg20 : memref<32x128xf32, #tpu.memory_space<vmem>>)
    %dma_wait3A_189 = arith.constant 0 : i32
    %dma_wait3A_190 = arith.constant 0 : i32
    %dma_wait3A_191 = tpu.memref_slice %arg6[%dma_wait3A_189, %dma_wait3A_190] : memref<32x1000000xf32, #tpu.memory_space<hbm>> -> memref<32x128xf32, #tpu.memory_space<hbm>>
    %dma_wait3A_192 = arith.constant 0 : i32
    %dma_wait3A_193 = arith.constant 0 : i32
    %dma_wait3A_194 = tpu.memref_slice %arg6[%dma_wait3A_192, %dma_wait3A_193] : memref<32x1000000xf32, #tpu.memory_space<hbm>> -> memref<32x128xf32, #tpu.memory_space<hbm>>
    tpu.wait_dma2 semaphore(%arg37 : memref<!tpu.dma_semaphore, #tpu.memory_space<semaphore_mem>>) src(%dma_wait3A_194 : memref<32x128xf32, #tpu.memory_space<hbm>>) dst(%arg21 : memref<32x128xf32, #tpu.memory_space<vmem>>)
    %dma_wait3A_195 = arith.constant 0 : i32
    %dma_wait3A_196 = arith.constant 0 : i32
    %dma_wait3A_197 = tpu.memref_slice %arg7[%dma_wait3A_195, %dma_wait3A_196] : memref<32x1000000xf32, #tpu.memory_space<hbm>> -> memref<32x128xf32, #tpu.memory_space<hbm>>
    %dma_wait3A_198 = arith.constant 0 : i32
    %dma_wait3A_199 = arith.constant 0 : i32
    %dma_wait3A_200 = tpu.memref_slice %arg7[%dma_wait3A_198, %dma_wait3A_199] : memref<32x1000000xf32, #tpu.memory_space<hbm>> -> memref<32x128xf32, #tpu.memory_space<hbm>>
    tpu.wait_dma2 semaphore(%arg37 : memref<!tpu.dma_semaphore, #tpu.memory_space<semaphore_mem>>) src(%dma_wait3A_200 : memref<32x128xf32, #tpu.memory_space<hbm>>) dst(%arg22 : memref<32x128xf32, #tpu.memory_space<vmem>>)
    %dma_wait3A_201 = arith.constant 0 : i32
    %dma_wait3A_202 = arith.constant 0 : i32
    %dma_wait3A_203 = tpu.memref_slice %arg4[%dma_wait3A_201, %dma_wait3A_202] : memref<32x1000000xf32, #tpu.memory_space<hbm>> -> memref<32x128xf32, #tpu.memory_space<hbm>>
    %dma_wait3A_204 = arith.constant 0 : i32
    %dma_wait3A_205 = arith.constant 0 : i32
    %dma_wait3A_206 = tpu.memref_slice %arg4[%dma_wait3A_204, %dma_wait3A_205] : memref<32x1000000xf32, #tpu.memory_space<hbm>> -> memref<32x128xf32, #tpu.memory_space<hbm>>
    tpu.wait_dma2 semaphore(%arg38 : memref<!tpu.dma_semaphore, #tpu.memory_space<semaphore_mem>>) src(%dma_wait3A_206 : memref<32x128xf32, #tpu.memory_space<hbm>>) dst(%arg23 : memref<32x128xf32, #tpu.memory_space<vmem>>)
    %dma_wait3A_207 = arith.constant 0 : i32
    %dma_wait3A_208 = arith.constant 0 : i32
    %dma_wait3A_209 = tpu.memref_slice %arg5[%dma_wait3A_207, %dma_wait3A_208] : memref<32x1000000xf32, #tpu.memory_space<hbm>> -> memref<32x128xf32, #tpu.memory_space<hbm>>
    %dma_wait3A_210 = arith.constant 0 : i32
    %dma_wait3A_211 = arith.constant 0 : i32
    %dma_wait3A_212 = tpu.memref_slice %arg5[%dma_wait3A_210, %dma_wait3A_211] : memref<32x1000000xf32, #tpu.memory_space<hbm>> -> memref<32x128xf32, #tpu.memory_space<hbm>>
    tpu.wait_dma2 semaphore(%arg38 : memref<!tpu.dma_semaphore, #tpu.memory_space<semaphore_mem>>) src(%dma_wait3A_212 : memref<32x128xf32, #tpu.memory_space<hbm>>) dst(%arg24 : memref<32x128xf32, #tpu.memory_space<vmem>>)
    %dma_wait3A_213 = arith.constant 0 : i32
    %dma_wait3A_214 = arith.constant 0 : i32
    %dma_wait3A_215 = tpu.memref_slice %arg6[%dma_wait3A_213, %dma_wait3A_214] : memref<32x1000000xf32, #tpu.memory_space<hbm>> -> memref<32x128xf32, #tpu.memory_space<hbm>>
    %dma_wait3A_216 = arith.constant 0 : i32
    %dma_wait3A_217 = arith.constant 0 : i32
    %dma_wait3A_218 = tpu.memref_slice %arg6[%dma_wait3A_216, %dma_wait3A_217] : memref<32x1000000xf32, #tpu.memory_space<hbm>> -> memref<32x128xf32, #tpu.memory_space<hbm>>
    tpu.wait_dma2 semaphore(%arg38 : memref<!tpu.dma_semaphore, #tpu.memory_space<semaphore_mem>>) src(%dma_wait3A_218 : memref<32x128xf32, #tpu.memory_space<hbm>>) dst(%arg25 : memref<32x128xf32, #tpu.memory_space<vmem>>)
    %dma_wait3A_219 = arith.constant 0 : i32
    %dma_wait3A_220 = arith.constant 0 : i32
    %dma_wait3A_221 = tpu.memref_slice %arg7[%dma_wait3A_219, %dma_wait3A_220] : memref<32x1000000xf32, #tpu.memory_space<hbm>> -> memref<32x128xf32, #tpu.memory_space<hbm>>
    %dma_wait3A_222 = arith.constant 0 : i32
    %dma_wait3A_223 = arith.constant 0 : i32
    %dma_wait3A_224 = tpu.memref_slice %arg7[%dma_wait3A_222, %dma_wait3A_223] : memref<32x1000000xf32, #tpu.memory_space<hbm>> -> memref<32x128xf32, #tpu.memory_space<hbm>>
    tpu.wait_dma2 semaphore(%arg38 : memref<!tpu.dma_semaphore, #tpu.memory_space<semaphore_mem>>) src(%dma_wait3A_224 : memref<32x128xf32, #tpu.memory_space<hbm>>) dst(%arg26 : memref<32x128xf32, #tpu.memory_space<vmem>>)
    %dma_wait3A_225 = arith.constant 0 : i32
    %dma_wait3A_226 = arith.constant 0 : i32
    %dma_wait3A_227 = tpu.memref_slice %arg4[%dma_wait3A_225, %dma_wait3A_226] : memref<32x1000000xf32, #tpu.memory_space<hbm>> -> memref<32x128xf32, #tpu.memory_space<hbm>>
    %dma_wait3A_228 = arith.constant 0 : i32
    %dma_wait3A_229 = arith.constant 0 : i32
    %dma_wait3A_230 = tpu.memref_slice %arg4[%dma_wait3A_228, %dma_wait3A_229] : memref<32x1000000xf32, #tpu.memory_space<hbm>> -> memref<32x128xf32, #tpu.memory_space<hbm>>
    tpu.wait_dma2 semaphore(%arg39 : memref<!tpu.dma_semaphore, #tpu.memory_space<semaphore_mem>>) src(%dma_wait3A_230 : memref<32x128xf32, #tpu.memory_space<hbm>>) dst(%arg27 : memref<32x128xf32, #tpu.memory_space<vmem>>)
    %dma_wait3A_231 = arith.constant 0 : i32
    %dma_wait3A_232 = arith.constant 0 : i32
    %dma_wait3A_233 = tpu.memref_slice %arg5[%dma_wait3A_231, %dma_wait3A_232] : memref<32x1000000xf32, #tpu.memory_space<hbm>> -> memref<32x128xf32, #tpu.memory_space<hbm>>
    %dma_wait3A_234 = arith.constant 0 : i32
    %dma_wait3A_235 = arith.constant 0 : i32
    %dma_wait3A_236 = tpu.memref_slice %arg5[%dma_wait3A_234, %dma_wait3A_235] : memref<32x1000000xf32, #tpu.memory_space<hbm>> -> memref<32x128xf32, #tpu.memory_space<hbm>>
    tpu.wait_dma2 semaphore(%arg39 : memref<!tpu.dma_semaphore, #tpu.memory_space<semaphore_mem>>) src(%dma_wait3A_236 : memref<32x128xf32, #tpu.memory_space<hbm>>) dst(%arg28 : memref<32x128xf32, #tpu.memory_space<vmem>>)
    %dma_wait3A_237 = arith.constant 0 : i32
    %dma_wait3A_238 = arith.constant 0 : i32
    %dma_wait3A_239 = tpu.memref_slice %arg6[%dma_wait3A_237, %dma_wait3A_238] : memref<32x1000000xf32, #tpu.memory_space<hbm>> -> memref<32x128xf32, #tpu.memory_space<hbm>>
    %dma_wait3A_240 = arith.constant 0 : i32
    %dma_wait3A_241 = arith.constant 0 : i32
    %dma_wait3A_242 = tpu.memref_slice %arg6[%dma_wait3A_240, %dma_wait3A_241] : memref<32x1000000xf32, #tpu.memory_space<hbm>> -> memref<32x128xf32, #tpu.memory_space<hbm>>
    tpu.wait_dma2 semaphore(%arg39 : memref<!tpu.dma_semaphore, #tpu.memory_space<semaphore_mem>>) src(%dma_wait3A_242 : memref<32x128xf32, #tpu.memory_space<hbm>>) dst(%arg29 : memref<32x128xf32, #tpu.memory_space<vmem>>)
    %dma_wait3A_243 = arith.constant 0 : i32
    %dma_wait3A_244 = arith.constant 0 : i32
    %dma_wait3A_245 = tpu.memref_slice %arg7[%dma_wait3A_243, %dma_wait3A_244] : memref<32x1000000xf32, #tpu.memory_space<hbm>> -> memref<32x128xf32, #tpu.memory_space<hbm>>
    %dma_wait3A_246 = arith.constant 0 : i32
    %dma_wait3A_247 = arith.constant 0 : i32
    %dma_wait3A_248 = tpu.memref_slice %arg7[%dma_wait3A_246, %dma_wait3A_247] : memref<32x1000000xf32, #tpu.memory_space<hbm>> -> memref<32x128xf32, #tpu.memory_space<hbm>>
    tpu.wait_dma2 semaphore(%arg39 : memref<!tpu.dma_semaphore, #tpu.memory_space<semaphore_mem>>) src(%dma_wait3A_248 : memref<32x128xf32, #tpu.memory_space<hbm>>) dst(%arg30 : memref<32x128xf32, #tpu.memory_space<vmem>>)
    %dma_wait3A_249 = arith.constant 0 : i32
    %dma_wait3A_250 = tpu.memref_slice %arg31[%dma_wait3A_249] : memref<8192xf32, #tpu.memory_space<vmem>> -> memref<4096xf32, #tpu.memory_space<vmem>>
    %dma_wait3A_251 = arith.constant 0 : i32
    %dma_wait3A_252 = tpu.memref_slice %arg9[%dma_wait3A_251] : memref<524288xf32, #tpu.memory_space<hbm>> -> memref<4096xf32, #tpu.memory_space<hbm>>
    %dma_wait3A_253 = arith.constant 0 : i32
    %dma_wait3A_254 = tpu.memref_slice %arg31[%dma_wait3A_253] : memref<8192xf32, #tpu.memory_space<vmem>> -> memref<4096xf32, #tpu.memory_space<vmem>>
    %dma_wait3A_255 = arith.constant 0 : i32
    %dma_wait3A_256 = tpu.memref_slice %arg9[%dma_wait3A_255] : memref<524288xf32, #tpu.memory_space<hbm>> -> memref<4096xf32, #tpu.memory_space<hbm>>
    tpu.wait_dma2 semaphore(%arg40 : memref<!tpu.dma_semaphore, #tpu.memory_space<semaphore_mem>>) src(%dma_wait3A_256 : memref<4096xf32, #tpu.memory_space<hbm>>) dst(%dma_wait3A_254 : memref<4096xf32, #tpu.memory_space<vmem>>)
    %dma_wait3A_257 = arith.constant 0 : i32
    %dma_wait3A_258 = tpu.memref_slice %arg32[%dma_wait3A_257] : memref<8192xf32, #tpu.memory_space<vmem>> -> memref<4096xf32, #tpu.memory_space<vmem>>
    %dma_wait3A_259 = arith.constant 0 : i32
    %dma_wait3A_260 = tpu.memref_slice %arg10[%dma_wait3A_259] : memref<524288xf32, #tpu.memory_space<hbm>> -> memref<4096xf32, #tpu.memory_space<hbm>>
    %dma_wait3A_261 = arith.constant 0 : i32
    %dma_wait3A_262 = tpu.memref_slice %arg32[%dma_wait3A_261] : memref<8192xf32, #tpu.memory_space<vmem>> -> memref<4096xf32, #tpu.memory_space<vmem>>
    %dma_wait3A_263 = arith.constant 0 : i32
    %dma_wait3A_264 = tpu.memref_slice %arg10[%dma_wait3A_263] : memref<524288xf32, #tpu.memory_space<hbm>> -> memref<4096xf32, #tpu.memory_space<hbm>>
    tpu.wait_dma2 semaphore(%arg40 : memref<!tpu.dma_semaphore, #tpu.memory_space<semaphore_mem>>) src(%dma_wait3A_264 : memref<4096xf32, #tpu.memory_space<hbm>>) dst(%dma_wait3A_262 : memref<4096xf32, #tpu.memory_space<vmem>>)
    %dma_wait3A_265 = arith.constant 0 : i32
    %dma_wait3A_266 = tpu.memref_slice %arg33[%dma_wait3A_265] : memref<8192xf32, #tpu.memory_space<vmem>> -> memref<4096xf32, #tpu.memory_space<vmem>>
    %dma_wait3A_267 = arith.constant 0 : i32
    %dma_wait3A_268 = tpu.memref_slice %arg11[%dma_wait3A_267] : memref<524288xf32, #tpu.memory_space<hbm>> -> memref<4096xf32, #tpu.memory_space<hbm>>
    %dma_wait3A_269 = arith.constant 0 : i32
    %dma_wait3A_270 = tpu.memref_slice %arg33[%dma_wait3A_269] : memref<8192xf32, #tpu.memory_space<vmem>> -> memref<4096xf32, #tpu.memory_space<vmem>>
    %dma_wait3A_271 = arith.constant 0 : i32
    %dma_wait3A_272 = tpu.memref_slice %arg11[%dma_wait3A_271] : memref<524288xf32, #tpu.memory_space<hbm>> -> memref<4096xf32, #tpu.memory_space<hbm>>
    tpu.wait_dma2 semaphore(%arg40 : memref<!tpu.dma_semaphore, #tpu.memory_space<semaphore_mem>>) src(%dma_wait3A_272 : memref<4096xf32, #tpu.memory_space<hbm>>) dst(%dma_wait3A_270 : memref<4096xf32, #tpu.memory_space<vmem>>)
    %dma_wait3A_273 = arith.constant 0 : i32
    %dma_wait3A_274 = tpu.memref_slice %arg34[%dma_wait3A_273] : memref<8192xf32, #tpu.memory_space<vmem>> -> memref<4096xf32, #tpu.memory_space<vmem>>
    %dma_wait3A_275 = arith.constant 0 : i32
    %dma_wait3A_276 = tpu.memref_slice %arg12[%dma_wait3A_275] : memref<524288xf32, #tpu.memory_space<hbm>> -> memref<4096xf32, #tpu.memory_space<hbm>>
    %dma_wait3A_277 = arith.constant 0 : i32
    %dma_wait3A_278 = tpu.memref_slice %arg34[%dma_wait3A_277] : memref<8192xf32, #tpu.memory_space<vmem>> -> memref<4096xf32, #tpu.memory_space<vmem>>
    %dma_wait3A_279 = arith.constant 0 : i32
    %dma_wait3A_280 = tpu.memref_slice %arg12[%dma_wait3A_279] : memref<524288xf32, #tpu.memory_space<hbm>> -> memref<4096xf32, #tpu.memory_space<hbm>>
    tpu.wait_dma2 semaphore(%arg40 : memref<!tpu.dma_semaphore, #tpu.memory_space<semaphore_mem>>) src(%dma_wait3A_280 : memref<4096xf32, #tpu.memory_space<hbm>>) dst(%dma_wait3A_278 : memref<4096xf32, #tpu.memory_space<vmem>>)
    %dma_wait3A_281 = arith.constant 0 : i32
    %dma_wait3A_282 = tpu.memref_slice %arg31[%dma_wait3A_281] : memref<8192xf32, #tpu.memory_space<vmem>> -> memref<4096xf32, #tpu.memory_space<vmem>>
    %dma_wait3A_283 = arith.constant 0 : i32
    %dma_wait3A_284 = tpu.memref_slice %arg9[%dma_wait3A_283] : memref<524288xf32, #tpu.memory_space<hbm>> -> memref<4096xf32, #tpu.memory_space<hbm>>
    %dma_wait3A_285 = arith.constant 0 : i32
    %dma_wait3A_286 = tpu.memref_slice %arg31[%dma_wait3A_285] : memref<8192xf32, #tpu.memory_space<vmem>> -> memref<4096xf32, #tpu.memory_space<vmem>>
    %dma_wait3A_287 = arith.constant 0 : i32
    %dma_wait3A_288 = tpu.memref_slice %arg9[%dma_wait3A_287] : memref<524288xf32, #tpu.memory_space<hbm>> -> memref<4096xf32, #tpu.memory_space<hbm>>
    tpu.wait_dma2 semaphore(%arg40 : memref<!tpu.dma_semaphore, #tpu.memory_space<semaphore_mem>>) src(%dma_wait3A_288 : memref<4096xf32, #tpu.memory_space<hbm>>) dst(%dma_wait3A_286 : memref<4096xf32, #tpu.memory_space<vmem>>)
    %dma_wait3A_289 = arith.constant 0 : i32
    %dma_wait3A_290 = tpu.memref_slice %arg32[%dma_wait3A_289] : memref<8192xf32, #tpu.memory_space<vmem>> -> memref<4096xf32, #tpu.memory_space<vmem>>
    %dma_wait3A_291 = arith.constant 0 : i32
    %dma_wait3A_292 = tpu.memref_slice %arg10[%dma_wait3A_291] : memref<524288xf32, #tpu.memory_space<hbm>> -> memref<4096xf32, #tpu.memory_space<hbm>>
    %dma_wait3A_293 = arith.constant 0 : i32
    %dma_wait3A_294 = tpu.memref_slice %arg32[%dma_wait3A_293] : memref<8192xf32, #tpu.memory_space<vmem>> -> memref<4096xf32, #tpu.memory_space<vmem>>
    %dma_wait3A_295 = arith.constant 0 : i32
    %dma_wait3A_296 = tpu.memref_slice %arg10[%dma_wait3A_295] : memref<524288xf32, #tpu.memory_space<hbm>> -> memref<4096xf32, #tpu.memory_space<hbm>>
    tpu.wait_dma2 semaphore(%arg40 : memref<!tpu.dma_semaphore, #tpu.memory_space<semaphore_mem>>) src(%dma_wait3A_296 : memref<4096xf32, #tpu.memory_space<hbm>>) dst(%dma_wait3A_294 : memref<4096xf32, #tpu.memory_space<vmem>>)
    %dma_wait3A_297 = arith.constant 0 : i32
    %dma_wait3A_298 = tpu.memref_slice %arg33[%dma_wait3A_297] : memref<8192xf32, #tpu.memory_space<vmem>> -> memref<4096xf32, #tpu.memory_space<vmem>>
    %dma_wait3A_299 = arith.constant 0 : i32
    %dma_wait3A_300 = tpu.memref_slice %arg11[%dma_wait3A_299] : memref<524288xf32, #tpu.memory_space<hbm>> -> memref<4096xf32, #tpu.memory_space<hbm>>
    %dma_wait3A_301 = arith.constant 0 : i32
    %dma_wait3A_302 = tpu.memref_slice %arg33[%dma_wait3A_301] : memref<8192xf32, #tpu.memory_space<vmem>> -> memref<4096xf32, #tpu.memory_space<vmem>>
    %dma_wait3A_303 = arith.constant 0 : i32
    %dma_wait3A_304 = tpu.memref_slice %arg11[%dma_wait3A_303] : memref<524288xf32, #tpu.memory_space<hbm>> -> memref<4096xf32, #tpu.memory_space<hbm>>
    tpu.wait_dma2 semaphore(%arg40 : memref<!tpu.dma_semaphore, #tpu.memory_space<semaphore_mem>>) src(%dma_wait3A_304 : memref<4096xf32, #tpu.memory_space<hbm>>) dst(%dma_wait3A_302 : memref<4096xf32, #tpu.memory_space<vmem>>)
    %dma_wait3A_305 = arith.constant 0 : i32
    %dma_wait3A_306 = tpu.memref_slice %arg34[%dma_wait3A_305] : memref<8192xf32, #tpu.memory_space<vmem>> -> memref<4096xf32, #tpu.memory_space<vmem>>
    %dma_wait3A_307 = arith.constant 0 : i32
    %dma_wait3A_308 = tpu.memref_slice %arg12[%dma_wait3A_307] : memref<524288xf32, #tpu.memory_space<hbm>> -> memref<4096xf32, #tpu.memory_space<hbm>>
    %dma_wait3A_309 = arith.constant 0 : i32
    %dma_wait3A_310 = tpu.memref_slice %arg34[%dma_wait3A_309] : memref<8192xf32, #tpu.memory_space<vmem>> -> memref<4096xf32, #tpu.memory_space<vmem>>
    %dma_wait3A_311 = arith.constant 0 : i32
    %dma_wait3A_312 = tpu.memref_slice %arg12[%dma_wait3A_311] : memref<524288xf32, #tpu.memory_space<hbm>> -> memref<4096xf32, #tpu.memory_space<hbm>>
    tpu.wait_dma2 semaphore(%arg40 : memref<!tpu.dma_semaphore, #tpu.memory_space<semaphore_mem>>) src(%dma_wait3A_312 : memref<4096xf32, #tpu.memory_space<hbm>>) dst(%dma_wait3A_310 : memref<4096xf32, #tpu.memory_space<vmem>>)
    %scan3A_313 = arith.constant 0 : i32
    %scan3A_314 = arith.constant 0 : i32
    %scan3A_315 = arith.constant 32 : i32
    %scan3A_316 = arith.addi %scan3A_314, %scan3A_315 : i32
    %scan3A_317 = arith.constant 1 : i32
    scf.for %scan3A_319 = %scan3A_314 to %scan3A_316 step %scan3A_317  : i32 {
      %mul3A_320 = arith.constant 16 : i32
      %mul3A_321 = arith.muli %scan3A_319, %mul3A_320 : i32
      %multiple_of3A_322 = tpu.assume_multiple %mul3A_321, 16 : i32
      %get3A_323 = arith.index_cast %multiple_of3A_322 : i32 to index
      %get3A_324 = tpu.vector_load %arg35[%get3A_323] {strides = array<i32>} : memref<512xf32, #tpu.memory_space<vmem>>, vector<16xf32>,
      %neg3A = arith.constant 0.000000e+00 : f32
      %neg3A_325 = vector.broadcast %neg3A : f32 to vector<16xf32>
      %neg3A_326 = arith.subf %neg3A_325, %get3A_324 : vector<16xf32>
      %exp3A = math.exp %neg3A_326 : vector<16xf32>
      %add3A_327 = arith.constant 1.000000e+00 : f32
      %add3A_328 = vector.broadcast %add3A_327 : f32 to vector<16xf32>
      %add3A_329 = arith.addf %add3A_328, %exp3A : vector<16xf32>
      %div3A = arith.constant 1.000000e+00 : f32
      %div3A_330 = vector.broadcast %div3A : f32 to vector<16xf32>
      %div3A_331 = arith.divf %div3A_330, %add3A_329 : vector<16xf32>
      %swap3A = arith.index_cast %multiple_of3A_322 : i32 to index
      %swap3A_332 = tpu.vector_load %arg35[%swap3A] {strides = array<i32>} : memref<512xf32, #tpu.memory_space<vmem>>, vector<16xf32>,
      tpu.vector_store %arg35[%swap3A], %div3A_331 {strides = array<i32>} : memref<512xf32, #tpu.memory_space<vmem>>, vector<16xf32>,
    }
    %scan3A_318 = arith.constant 32 : i32
    "tpu.region"() ({
      %run_scoped3A = tpu.sem_alloc : memref<!tpu.dma_semaphore, #tpu.memory_space<semaphore_mem>>
      %dma_start3A_319 = tpu.memref_slice %arg8[%multiple_of3A] : memref<16384xf32, #tpu.memory_space<hbm>> -> memref<512xf32, #tpu.memory_space<hbm>>
      %dma_start3A_320 = tpu.memref_slice %arg8[%multiple_of3A] : memref<16384xf32, #tpu.memory_space<hbm>> -> memref<512xf32, #tpu.memory_space<hbm>>
      tpu.enqueue_dma source(%arg35 : memref<512xf32, #tpu.memory_space<vmem>>) target(%dma_start3A_320 : memref<512xf32, #tpu.memory_space<hbm>>) target_semaphore(%run_scoped3A : memref<!tpu.dma_semaphore, #tpu.memory_space<semaphore_mem>>)
      %dma_wait3A_321 = tpu.memref_slice %arg8[%multiple_of3A] : memref<16384xf32, #tpu.memory_space<hbm>> -> memref<512xf32, #tpu.memory_space<hbm>>
      %dma_wait3A_322 = tpu.memref_slice %arg8[%multiple_of3A] : memref<16384xf32, #tpu.memory_space<hbm>> -> memref<512xf32, #tpu.memory_space<hbm>>
      tpu.wait_dma2 semaphore(%run_scoped3A : memref<!tpu.dma_semaphore, #tpu.memory_space<semaphore_mem>>) src(%arg35 : memref<512xf32, #tpu.memory_space<vmem>>) dst(%dma_wait3A_322 : memref<512xf32, #tpu.memory_space<hbm>>)
      tpu.yield
    }) : () -> ()
    return
  }
}

</mosaic_0001>

<sc_bundles>
// kernel: kernel.3.cloned.1.call-start
scs
__scs_entry_jumppad:
0x0: {  	(pc) =	sbr.rel $0x88, $3  }
0x1: {  	(tag) =	ssettag $0x0;
	lr =	simm.s32 $0x1  }
0x2: {  	[smem:$0x3F9B] =	sst lr;
	_ =	strace $0xD0000000  }
0x3: {  	_ = 	snop  }
0x4: {  	_ = 	snop  }
0x5: {  	_ = 	snop  }
0x6: {  	_ = 	snop  }
0x7: {  	_ = 	snop  }
__scs_overlays_trampoline_lowered:
0x8: {  	[smem:$0x3FAA] =	sst s0  }
0x9: {  	[smem:$0x3FAB] =	sst s1  }
0xa: {  	[smem:$0x3FAC] =	sst s2  }
0xb: {  	[smem:$0x3FAD] =	sst s3  }
0xc: {  	[smem:$0x3FAE] =	sst s4  }
0xd: {  	[smem:$0x3FAF] =	sst s5  }
0xe: {  	[smem:$0x3FB0] =	sst s6  }
0xf: {  	[smem:$0x3FB1] =	sst s7  }
0x10: {  	[smem:$0x3FB2] =	sst s8  }
0x11: {  	[smem:$0x3FB3] =	sst s9;
	s0 =	simm.s32 @!p0 $0x0  }
0x12: {  	s1 =	sld [smem:$0x3F99];
	s0 =	simm.s32 @p0 $0x1  }
0x13: {  	[smem:$0x3FB4] =	sst s0;
	s0 =	simm.s32 @!p1 $0x0  }
0x14: {  	s2 =	sld [smem:$0x3F98];
	s0 =	simm.s32 @p1 $0x1  }
0x15: {  	[smem:$0x3FB5] =	sst s0;
	s0 =	simm.s32 @!p2 $0x0  }
0x16: {  	s3 =	sld [smem:$0x3FDB];
	s0 =	simm.s32 @p2 $0x1  }
0x17: {  	s4 =	simm.s32 $0x1BF5;
	[smem:$0x3FB7] =	sst s0  }
0x18: {  	s0 =	sld [smem:$0x3F9A];
	_ =	swait.ge [sflag:s4], $0x0  }
0x19: {  	s7 =	sld [smem:$0x3F9B]  }
0x1a: {  	s8 =	sadd.s32 $0xFFFFE003, lr  }
0x1b: {  	s9 =	sadd.s32 $0xFFFFFEF7, lr;
	s5 =	simm.s32 $0xFFFFFFFF;
	p2 =	slt.u32 s8, $0xFFFFF086  }
0x1c: {  	p1 =	slt.u32 s9, $0xF7A;
	s5 =	simm.s32 @!p2 $0x0  }
0x1d: {  	s5 =	simm.s32 @p1 $0x1;
	p0 =	seq.s32 s7, s2  }
0x1e: {  	s7 =	smul.u32 @!p0 $0xF7A, s2;
	p2 =	seq.s32 @!p0 s5, $0x0  }
0x1f: {  	s9 =	smul.u32 $0xF7A, s1;
	s8 =	simm.s32 @!p0 $0x1BF5;
	p2 =	por !p2, p0  }
0x20: {  	[sflag:s8] =	ssyncset.s32 @!p0 $0xFFFFF086;
	s6 =	sadd.s32 @!p0 s3, s7;
	s7 =	simm.s32 @!p0 $0x108  }
0x21: {  	s3 =	sadd.s32 s3, s9;
	s6 =	sadd.s32 @!p0 $0x88, s6;
	s7 =	simm.s32 @p2 $0x1082  }
0x22: {  	[simem:s7], [sflag:s8] =	dma.local @!p0 [hbm:s6], $0xF7A  }
0x23: {  	s9 =	sor.u32 $0xD0000000, s2;
	s6 =	simm.s32 $0x108;
	_ =	swait.ge @!p0 [sflag:s8], $0x0  }
0x24: {  	s3 =	sadd.s32 $0x88, s3;
	s6 =	simm.s32 @!p1 $0x1082;
	[sflag:s4] =	ssyncset.s32 $0xFFFFF086  }
0x25: {  	[simem:s6], [sflag:s4] =	dma.local [hbm:s3], $0xF7A  }
0x26: {  	[smem:$0x3F9B] =	sst s1;
	(tag) =	ssettag s2;
	_ =	strace s9  }
0x27: {  	s1 =	sld [smem:$0x3FAB]  }
0x28: {  	s2 =	sld [smem:$0x3FAC]  }
0x29: {  	s4 =	sld [smem:$0x3FAE]  }
0x2a: {  	p0 =	seq.s32 s5, $0x0;
	s5 =	sld [smem:$0x3FAF]  }
0x2b: {  	s6 =	sld [smem:$0x3FB0]  }
0x2c: {  	s7 =	sld [smem:$0x3FB1]  }
0x2d: {  	s3 =	simm.s32 $0x108;
	s8 =	sld [smem:$0x3FB2]  }
0x2e: {  	s3 =	simm.s32 @!p0 $0x1082;
	s9 =	sld [smem:$0x3FB3]  }
0x2f: {  	lr =	sadd.s32 s0, s3;
	s0 =	sld [smem:$0x3FAA]  }
0x30: {  	s3 =	sld [smem:$0x3FAD]  }
0x31: {  	[smem:$0x3FB6] =	sst s10  }
0x32: {  	s10 =	sld [smem:$0x3FB4];
	_ =	sdelay $0x3  }
0x33: {  	p0 =	seq.s32 s10, $0x1;
	s10 =	sld [smem:$0x3FB6];
	_ =	sdelay $0x3  }
0x34: {  	[smem:$0x3FB6] =	sst s10  }
0x35: {  	s10 =	sld [smem:$0x3FB5];
	_ =	sdelay $0x3  }
0x36: {  	p1 =	seq.s32 s10, $0x1;
	s10 =	sld [smem:$0x3FB6];
	_ =	sdelay $0x3  }
0x37: {  	[smem:$0x3FB6] =	sst s10  }
0x38: {  	s10 =	sld [smem:$0x3FB7]  }
0x39: {  	_ = 	snop;
	(pc) =	sbr.ind lr, $3  }
0x3a: {  	_ = 	snop  }
0x3b: {  	_ = 	snop  }
0x3c: {  	p2 =	seq.s32 s10, $0x1;
	s10 =	sld [smem:$0x3FB6]  }
0x3d: {  	_ =	shalt  }
0x3e: {  	_ =	shalt  }
0x3f: {  	_ =	shalt  }
0x40: {  	_ =	shalt  }
0x41: {  	_ =	shalt  }
0x42: {  	_ =	shalt  }
0x43: {  	_ =	shalt  }
0x44: {  	_ =	shalt  }
0x45: {  	_ =	shalt  }
0x46: {  	_ =	shalt  }
0x47: {  	_ =	shalt  }
0x48: {  	_ =	shalt  }
0x49: {  	_ =	shalt  }
0x4a: {  	_ =	shalt  }
0x4b: {  	_ =	shalt  }
0x4c: {  	_ =	shalt  }
0x4d: {  	_ =	shalt  }
0x4e: {  	_ =	shalt  }
0x4f: {  	_ =	shalt  }
0x50: {  	_ =	shalt  }
0x51: {  	_ =	shalt  }
0x52: {  	_ =	shalt  }
0x53: {  	_ =	shalt  }
0x54: {  	_ =	shalt  }
0x55: {  	_ =	shalt  }
0x56: {  	_ =	shalt  }
0x57: {  	_ =	shalt  }
0x58: {  	_ =	shalt  }
0x59: {  	_ =	shalt  }
0x5a: {  	_ =	shalt  }
0x5b: {  	_ =	shalt  }
0x5c: {  	_ =	shalt  }
0x5d: {  	_ =	shalt  }
0x5e: {  	_ =	shalt  }
0x5f: {  	_ =	shalt  }
0x60: {  	_ =	shalt  }
0x61: {  	_ =	shalt  }
0x62: {  	_ =	shalt  }
0x63: {  	_ =	shalt  }
0x64: {  	_ =	shalt  }
0x65: {  	_ =	shalt  }
0x66: {  	_ =	shalt  }
0x67: {  	_ =	shalt  }
0x68: {  	_ =	shalt  }
0x69: {  	_ =	shalt  }
0x6a: {  	_ =	shalt  }
0x6b: {  	_ =	shalt  }
0x6c: {  	_ =	shalt  }
0x6d: {  	_ =	shalt  }
0x6e: {  	_ =	shalt  }
0x6f: {  	_ =	shalt  }
0x70: {  	_ =	shalt  }
0x71: {  	_ =	shalt  }
0x72: {  	_ =	shalt  }
0x73: {  	_ =	shalt  }
0x74: {  	_ =	shalt  }
0x75: {  	_ =	shalt  }
0x76: {  	_ =	shalt  }
0x77: {  	_ =	shalt  }
0x78: {  	_ =	shalt  }
0x79: {  	_ =	shalt  }
0x7a: {  	_ =	shalt  }
0x7b: {  	_ =	shalt  }
0x7c: {  	_ =	shalt  }
0x7d: {  	_ =	shalt  }
0x7e: {  	_ =	shalt  }
0x7f: {  	_ =	shalt  }
0x80: {  	_ =	shalt  }
0x81: {  	_ =	shalt  }
0x82: {  	_ =	shalt  }
0x83: {  	_ =	shalt  }
0x84: {  	_ =	shalt  }
0x85: {  	_ =	shalt  }
0x86: {  	_ =	shalt  }
0x87: {  	_ =	shalt  }
.Lfunc_end0:
.L_simem_size_0:
called_computation_lowered:
.L_overlay_start_0:
0x88: {  	s2 =	sld [smem:$0x3FD9]  }
0x89: {  	s3 =	sld [smem:$0x3FFE];
	_ =	sdelay $0x1  }
0x8a: {  	s1 =	srdreg.scid  }
0x8b: {  	s0 =	sand.u32 $0x1, s1  }
0x8c: {  	s30 =	sshll.u32 s0, $0xA;
	s2 =	sadd.s32 s3, s2  }
0x8d: {  	s2 =	sadd.s32 s2, s30  }
0x8e: {  	[smem:$0x3FC2] =	sst s2  }
0x8f: {  	_ = 	snop  }
0x90: {  	s2 =	sld [smem:$0x3FC9]  }
0x91: {  	s31 =	sld [smem:$0x3FC8]  }
0x92: {  	s4 =	sld [smem:$0x3FC7]  }
0x93: {  	s5 =	sld [smem:$0x3FD0]  }
0x94: {  	s6 =	sld [smem:$0x3FC6]  }
0x95: {  	s7 =	sld [smem:$0x3FC5]  }
0x96: {  	s9 =	simm.s32 $0xA;
	s10 =	simm.s32 $0x10;
	s8 =	sld [smem:$0x3FC4]  }
0x97: {  	[smem:s10], [sflag:s9] =	dma.local [hbm:s5], $0x1  }
0x98: {  	_ =	swait.eq [sflag:s9], $0x1  }
0x99: {  	s16 =	sld [smem:$0x10];
	[sflag:s9] =	ssyncset.done $0x0  }
0x9a: {  	s17 =	sld [smem:$0x13];
	[sflag:s9] =	ssyncadd.s32 $0xFFFFFFFF  }
0x9b: {  	s18 =	sld [smem:$0x14];
	(tm) =	ssettm $0x1  }
0x9c: {  	s11 =	sld [smem:$0x3FFB];
	_ =	sdelay $0x3  }
0x9d: {  	_ =	strace s11  }
0x9e: {  	s11 =	sld [smem:$0x3FFC];
	_ =	sdelay $0x3  }
0x9f: {  	_ =	strace s11  }
0xa0: {  	s11 =	sld [smem:$0x3FFD];
	_ =	sdelay $0x3  }
0xa1: {  	_ =	strace s11  }
0xa2: {  	_ =	strace $0x8FFFFFFF  }
0xa3: {  	s19 =	sld [smem:$0x3FDB];
	_ =	sdelay $0x1  }
0xa4: {  	s12 =	simm.s32 $_scs_section_size  }
0xa5: {  	s13 =	simm.s32 $_size__tile_overlayer_lowered;
	s14 =	simm.s32 $_tile_overlayer_lowered  }
0xa6: {  	s22 =	simm.s32 $0x1BFF;
	s21 =	sshll.u32 s14, $0x1;
	s11 =	sadd.s32 s12, s19  }
0xa7: {  	s15 =	simm.s32 $0x0;
	s20 =	sshll.u32 s13, $0x1;
	s13 =	sadd.s32 s21, s11  }
0xa8: {  	[timem:s15], [sflag:s22] =	dma.local [hbm:s13], s20  }
0xa9: {  	_ =	swait.ge [sflag:s22], s20  }
0xaa: {  	s12 =	ssub.s32 $0x0, s20;
	[sflag:s22] =	ssyncset.done $0x0  }
0xab: {  	[sflag:s22] =	ssyncadd.s32 s12;
	_ =	sdelay $0x1  }
0xac: {  	s23 =	simm.s32 $0x1B8B  }
0xad: {  	_ =	swait.ge [sflag:s23], $0x1  }
0xae: {  	[sflag:s23] =	ssyncset.done $0x0  }
0xaf: {  	s25 =	simm.s32 $0x1B8E;
	s24 =	sld [smem:$0x3FFE];
	[sflag:s23] =	ssyncadd.s32 $0xFFFFFFFF  }
0xb0: {  	s26 =	simm.s32 $execute0_lowered;
	[smem:$0x3FD2] =	sst s25  }
0xb1: {  	s13 =	sshll.u32 s26, $0x1;
	_ =	strace $0x80000046;
	[dreg:$0x1] =	wrdreg $0xFFFFFFFF  }
0xb2: {  	s28 =	simm.s32 $_size_execute0_lowered;
	s11 =	sadd.s32 s11, s13;
	[dreg:$0x0] =	wrdreg $0x0  }
0xb3: {  	s13 =	sshll.u32 s28, $0x1;
	[dreg:$0x2] =	wrdreg s11  }
0xb4: {  	[dreg:$0x3] =	wrdreg s13  }
0xb5: {  	[dreg:$0x4] =	wrdreg $0xC0  }
0xb6: {  	_ =	task [dreg:s15], $0x5FFFF  }
0xb7: {  	[dreg:$0x1] =	wrdreg $0xFFFFFFFF  }
0xb8: {  	[dreg:$0x0] =	wrdreg $0x60  }
0xb9: {  	[dreg:$0x2] =	wrdreg s2  }
0xba: {  	[dreg:$0x3] =	wrdreg s31  }
0xbb: {  	[dreg:$0x4] =	wrdreg s4  }
0xbc: {  	[dreg:$0x5] =	wrdreg s6  }
0xbd: {  	[dreg:$0x6] =	wrdreg s7  }
0xbe: {  	[dreg:$0x7] =	wrdreg s8  }
0xbf: {  	[dreg:$0x8] =	wrdreg s16  }
0xc0: {  	[dreg:$0x9] =	wrdreg s18  }
0xc1: {  	[dreg:$0xa] =	wrdreg s17  }
0xc2: {  	[dreg:$0xb] =	wrdreg s24  }
0xc3: {  	[dreg:$0xc] =	wrdreg $0x9  }
0xc4: {  	_ =	task.clear_ibuf [dreg:s15], $0xDFFFF;
	_ =	strace $0x90000046  }
0xc5: {  	s29 =	simm.s32 $0x9;
	_ =	strace $0x80000048  }
0xc6: {  	_ =	swait.ge [sflag:s29], $0x1  }
0xc7: {  	[sflag:s29] =	ssyncadd.s32 $0xFFFFFFFF  }
0xc8: {  	_ =	strace $0x90000048  }
0xc9: {  	_ =	sfence  }
0xca: {  	s30 =	sld [smem:$0x0];
	_ =	sdelay $0x2  }
0xcb: {  	s31 =	sshll.u32 s1, $0xD;
	s1 =	sshrl.u32 s1, $0x2  }
0xcc: {  	s3 =	sand.u32 $0x4000, s31;
	s1 =	sadd.s32 s1, s30  }
0xcd: {  	s0 =	sor.u32 s3, s0;
	s1 =	sshll.u32 s1, $0x11  }
0xce: {  	s0 =	sor.u32 s1, s0  }
0xcf: {  	s0 =	sadd.s32 $0x8F2B, s0  }
0xd0: {  	[sflag:s0] =	ssyncadd.remote.s32 $0x1  }
0xd1: {  	_ =	sfence.sel $0xFFFF  }
0xd2: {  	[dreg:$0x0] =	wrdreg $0xFFFFFFFF;
	(pc) =	sbr.abs _section_cstart, $3  }
0xd3: {  	[dreg:$0x1] =	wrdreg $0xFFFFFFFF  }
0xd4: {  	_ =	task.clear_ibuf [dreg:s15], $0x2FFFF;
	_ =	strace $0x9FFFFFFF  }
0xd5: {  	(tm) =	ssettm $0x7FFFFFFF  }
tec
execute0_lowered:
.L_overlay_start_1:
0x0: {  	(tag) =	ssettag $0x1  }
0x1: {  	s4 =	rddreg [dreg:$0x0]  }
0x2: {  	s5 =	rddreg [dreg:$0x1]  }
0x3: {  	s1 =	rddreg [dreg:$0x2]  }
0x4: {  	s2 =	rddreg [dreg:$0x3]  }
0x5: {  	s3 =	rddreg [dreg:$0x4]  }
0x6: {  	s28 =	rddreg [dreg:$0x5]  }
0x7: {  	s6 =	rddreg [dreg:$0x6]  }
0x8: {  	s7 =	rddreg [dreg:$0x7]  }
0x9: {  	s18 =	rddreg [dreg:$0x8]  }
0xa: {  	s19 =	rddreg [dreg:$0x9]  }
0xb: {  	s15 =	simm.s32 $0x0;
	s9 =	srdreg.scid;
	s10 =	stileid.u32  }
0xc: {  	s13 =	simm.s32 $0x400;
	s14 =	simm.s32 $0x7A1400;
	s16 =	simm.s32 $0x3500  }
0xd: {  	s17 =	simm.s32 $0x4500;
	s0 =	simm.s32 $0xC500;
	[dreg:$0xb] =	wrdreg s7  }
0xe: {  	s29 =	simm.s32 $0xE500;
	s31 =	simm.s32 $0xF500;
	[dreg:$0xc] =	wrdreg s18  }
0xf: {  	s12 =	simm.s32 $0x2;
	s30 =	simm.s32 $0x18500;
	[smem:$0x7FF] =	sst s15  }
0x10: {  	s8 =	sadd.s32 $0xE00, s19;
	s20 =	sand.u32 $0x1, s9;
	s10 =	sshll.u32 s10, $0xA  }
0x11: {  	s7 =	sadd.s32 $0x10E00, s19;
	s19 =	simm.s32 $0x500;
	s18 =	simm.s32 $0x5500  }
0x12: {  	_ =	strace $0x80000047;
	[dreg:$0xd] =	wrdreg s8;
	s9 =	ssub.s32 $0x2, s20  }
0x13: {  	s8 =	sshll.u32 s20, $0x9;
	[dreg:$0xe] =	wrdreg s7;
	s20 =	simm.s32 $0x1500  }
0x14: {  	s7 =	simm.s32 $0x3;
	s11 =	sshrl.u32 s9, $0x1;
	s8 =	sor.u32 s8, s10  }
0x15: {  	s10 =	simm.s32 $0x0;
	s21 =	ssub.s32 s9, s11;
	s22 =	sshrl.u32 s8, $0x3  }
0x16: {  	s24 =	sshll.u32 s8, $0x2;
	s9 =	simm.s32 $0x6;
	s11 =	simm.s32 $0x2500  }
0x17: {  	s8 =	simm.s32 $0x4;
	s4 =	sadd.s32 s4, s22;
	[dreg:$0xf] =	wrdreg s24  }
0x18: {  	s23 =	sadd.s32 s5, s22;
	s25 =	sadd.s32 s6, s22;
	[dreg:$0x10] =	wrdreg s4  }
0x19: {  	v0 =	vlaneseq.u32;
	s26 =	smax.u32 s21, $0x1;
	s21 =	simm.s32 $0x6500;
	[dreg:$0x11] =	wrdreg s23  }
0x1a: {  	v0 =	vmul.u32 $0x80, v0;
	s22 =	simm.s32 $0x7500;
	s24 =	simm.s32 $0x9500;
	[dreg:$0x12] =	wrdreg s25  }
0x1b: {  	s6 =	simm.s32 $0xD500;
	[dreg:$0x13] =	wrdreg s26;
	s23 =	simm.s32 $0x8500  }
0x1c: {  	v1 =	vor.u32 $0x800, v0;
	s25 =	simm.s32 $0xA500;
	s26 =	simm.s32 $0xB500;
	s4 =	simm.s32 $0x1  }
.LBB2_1:
0x1d: {  	[dreg:$0x14] =	wrdreg s10  }
0x1e: {  	s5 =	rddreg [dreg:$0x10]  }
0x1f: {  	[tilespmem:s15], [sflag:$0x6] =	stream.linear.gather [hbm4b:s5+s15], $0x200, $0x38;
	[tilespmem:$0x18700] =	vst v63  }
0x20: {  	_ =	swait.ge [sflag:s9], $0x200  }
0x21: {  	[sflag:s9] =	ssyncset.done $0x0  }
0x22: {  	s10 =	simm.s32 $0x280;
	s5 =	rddreg [dreg:$0x11];
	[sflag:s9] =	ssyncadd.s32 $0xFFFFFE00  }
0x23: {  	[tilespmem:s10], [sflag:$0x6] =	stream.linear.gather [hbm4b:s5+s15], $0x200, $0x38;
	[tilespmem:$0x18700] =	vst v63  }
0x24: {  	_ =	swait.ge [sflag:s9], $0x200  }
0x25: {  	[sflag:s9] =	ssyncset.done $0x0  }
0x26: {  	[sflag:s9] =	ssyncadd.s32 $0xFFFFFE00  }
0x27: {  	v2 =	vld [tilespmem:$0x0];
	_ =	sdelay $0x1  }
0x28: {  	v3 =	vld [tilespmem:$0x280];
	_ =	sdelay $0x2  }
0x29: {  	(v2sf) =	vpush v2, $0x0;
	_ =	sdelay $0x1  }
0x2a: {  	(v2sf) =	vpush v3, $0x0;
	_ =	sdelay $0xc  }
0x2b: {  	s10 =	spop (v2sf)  }
0x2c: {  	s5 =	sand.u32 $0xFFFFF80, s10  }
0x2d: {  	s10 =	spop (v2sf);
	s15 =	sadd.s32 s1, s5  }
0x2e: {  	[tilespmem:s19], [sflag:$0x1] =	stream.strided.gather [hbm4b:s15+s13], $0x1000, s14, s13, $0x38;
	[tilespmem:$0x18700] =	vst v63  }
0x2f: {  	s5 =	sadd.s32 s2, s5;
	s15 =	sand.u32 $0xFFFFF80, s10  }
0x30: {  	[tilespmem:s20], [sflag:$0x1] =	stream.strided.gather [hbm4b:s5+s13], $0x1000, s14, s13, $0x38;
	[tilespmem:$0x18700] =	vst v63  }
0x31: {  	s9 =	sadd.s32 s3, s15  }
0x32: {  	[tilespmem:s11], [sflag:$0x1] =	stream.strided.gather [hbm4b:s9+s13], $0x1000, s14, s13, $0x38;
	[tilespmem:$0x18700] =	vst v63  }
0x33: {  	s5 =	sadd.s32 s28, s15  }
0x34: {  	[tilespmem:s16], [sflag:$0x1] =	stream.strided.gather [hbm4b:s5+s13], $0x1000, s14, s13, $0x38;
	[tilespmem:$0x18700] =	vst v63  }
0x35: {  	v2 =	vld [tilespmem:$0x1];
	_ =	sdelay $0x1  }
0x36: {  	v3 =	vld [tilespmem:$0x281];
	_ =	sdelay $0x2  }
0x37: {  	(v2sf) =	vpush v2, $0x0;
	_ =	sdelay $0x1  }
0x38: {  	(v2sf) =	vpush v3, $0x0;
	_ =	sdelay $0xc  }
0x39: {  	s10 =	spop (v2sf)  }
0x3a: {  	s5 =	sand.u32 $0xFFFFF80, s10  }
0x3b: {  	s15 =	spop (v2sf);
	s11 =	sadd.s32 s1, s5  }
0x3c: {  	[tilespmem:s17], [sflag:$0x2] =	stream.strided.gather [hbm4b:s11+s13], $0x1000, s14, s13, $0x38;
	[tilespmem:$0x18700] =	vst v63  }
0x3d: {  	s5 =	sadd.s32 s2, s5;
	s16 =	sand.u32 $0xFFFFF80, s15  }
0x3e: {  	[tilespmem:s18], [sflag:$0x2] =	stream.strided.gather [hbm4b:s5+s13], $0x1000, s14, s13, $0x38;
	[tilespmem:$0x18700] =	vst v63  }
0x3f: {  	s9 =	sadd.s32 s3, s16  }
0x40: {  	[tilespmem:s21], [sflag:$0x2] =	stream.strided.gather [hbm4b:s9+s13], $0x1000, s14, s13, $0x38;
	[tilespmem:$0x18700] =	vst v63  }
0x41: {  	s5 =	sadd.s32 s28, s16  }
0x42: {  	[tilespmem:s22], [sflag:$0x2] =	stream.strided.gather [hbm4b:s5+s13], $0x1000, s14, s13, $0x38;
	[tilespmem:$0x18700] =	vst v63  }
0x43: {  	v2 =	vld [tilespmem:$0x2];
	_ =	sdelay $0x1  }
0x44: {  	v3 =	vld [tilespmem:$0x282];
	_ =	sdelay $0x2  }
0x45: {  	(v2sf) =	vpush v2, $0x0;
	_ =	sdelay $0x1  }
0x46: {  	(v2sf) =	vpush v3, $0x0;
	_ =	sdelay $0xc  }
0x47: {  	s17 =	spop (v2sf)  }
0x48: {  	s5 =	sand.u32 $0xFFFFF80, s17  }
0x49: {  	s21 =	spop (v2sf);
	s18 =	sadd.s32 s1, s5  }
0x4a: {  	[tilespmem:s23], [sflag:$0x3] =	stream.strided.gather [hbm4b:s18+s13], $0x1000, s14, s13, $0x38;
	[tilespmem:$0x18700] =	vst v63  }
0x4b: {  	s5 =	sadd.s32 s2, s5;
	s22 =	sand.u32 $0xFFFFF80, s21  }
0x4c: {  	[tilespmem:s24], [sflag:$0x3] =	stream.strided.gather [hbm4b:s5+s13], $0x1000, s14, s13, $0x38;
	[tilespmem:$0x18700] =	vst v63  }
0x4d: {  	s9 =	sadd.s32 s3, s22  }
0x4e: {  	[tilespmem:s25], [sflag:$0x3] =	stream.strided.gather [hbm4b:s9+s13], $0x1000, s14, s13, $0x38;
	[tilespmem:$0x18700] =	vst v63  }
0x4f: {  	s5 =	sadd.s32 s28, s22  }
0x50: {  	[tilespmem:s26], [sflag:$0x3] =	stream.strided.gather [hbm4b:s5+s13], $0x1000, s14, s13, $0x38;
	[tilespmem:$0x18700] =	vst v63  }
0x51: {  	v2 =	vld [tilespmem:$0x3]  }
0x52: {  	v3 =	vld [tilespmem:$0x283];
	_ =	sdelay $0x3  }
0x53: {  	(v2sf) =	vpush v2, $0x0  }
0x54: {  	(v2sf) =	vpush v3, $0x0;
	_ =	sdelay $0xc  }
0x55: {  	s10 =	simm.s32 $0x0  }
0x56: {  	s11 =	simm.s32 $0x0;
	s21 =	simm.s32 $0xE500;
	s23 =	spop (v2sf)  }
0x57: {  	s22 =	simm.s32 $0x3500;
	s5 =	sand.u32 $0xFFFFF80, s23;
	s25 =	spop (v2sf)  }
0x58: {  	s23 =	simm.s32 $0x4500;
	s24 =	sadd.s32 s1, s5;
	s26 =	sand.u32 $0xFFFFF80, s25  }
0x59: {  	[tilespmem:s0], [sflag:$0x4] =	stream.strided.gather [hbm4b:s24+s13], $0x1000, s14, s13, $0x38;
	[tilespmem:$0x18700] =	vst v63  }
0x5a: {  	s5 =	sadd.s32 s2, s5;
	s25 =	simm.s32 $0xD500;
	s9 =	sadd.s32 s3, s26  }
0x5b: {  	[tilespmem:s6], [sflag:$0x4] =	stream.strided.gather [hbm4b:s5+s13], $0x1000, s14, s13, $0x38;
	[tilespmem:$0x18700] =	vst v63  }
0x5c: {  	s0 =	simm.s32 $0xC500;
	s24 =	simm.s32 $0x5500;
	s5 =	sadd.s32 s28, s26  }
0x5d: {  	[tilespmem:s29], [sflag:$0x4] =	stream.strided.gather [hbm4b:s9+s13], $0x1000, s14, s13, $0x38;
	[tilespmem:$0x18700] =	vst v63  }
0x5e: {  	s6 =	smov.u32 s28;
	s28 =	simm.s32 $0x8500;
	s9 =	simm.s32 $0x0  }
0x5f: {  	[tilespmem:s31], [sflag:$0x4] =	stream.strided.gather [hbm4b:s5+s13], $0x1000, s14, s13, $0x38;
	[tilespmem:$0x18700] =	vst v63  }
0x60: {  	s29 =	simm.s32 $0x9500;
	s5 =	simm.s32 $0x0;
	s31 =	simm.s32 $0xB500  }
.LBB2_2:
0x61: {  	s15 =	sand.u32 $0x1F, s9;
	p0 =	slt.u32 s9, $0x40  }
0x62: {  	p1 =	sne.s32 @!p0 s15, $0x0  }
0x63: {  	p0 =	por p1, p0  }
0x64: {  	s16 =	simm.s32 @!p0 $0x5  }
0x65: {  	_ =	swait.ge @!p0 [sflag:s16], $0x1000  }
0x66: {  	[sflag:s16] =	ssyncset.done @!p0 $0x0  }
0x67: {  	[sflag:s16] =	ssyncadd.s32 @!p0 $0xFFFFF000  }
0x68: {  	_ =	swait.ge @!p0 [sflag:s16], $0x1000  }
0x69: {  	[sflag:s16] =	ssyncset.done @!p0 $0x0  }
0x6a: {  	[sflag:s16] =	ssyncadd.s32 @!p0 $0xFFFFF000  }
0x6b: {  	_ =	swait.ge @!p0 [sflag:s16], $0x1000  }
0x6c: {  	[sflag:s16] =	ssyncset.done @!p0 $0x0  }
0x6d: {  	[sflag:s16] =	ssyncadd.s32 @!p0 $0xFFFFF000  }
0x6e: {  	_ =	swait.ge @!p0 [sflag:s16], $0x1000  }
0x6f: {  	[sflag:s16] =	ssyncset.done @!p0 $0x0  }
0x70: {  	[sflag:s16] =	ssyncadd.s32 @!p0 $0xFFFFF000  }
0x71: {  	_ =	swait.ge [sflag:s4], $0x1000  }
0x72: {  	[sflag:s4] =	ssyncset.done $0x0  }
0x73: {  	[sflag:s4] =	ssyncadd.s32 $0xFFFFF000  }
0x74: {  	_ =	swait.ge [sflag:s4], $0x1000  }
0x75: {  	[sflag:s4] =	ssyncset.done $0x0  }
0x76: {  	[sflag:s4] =	ssyncadd.s32 $0xFFFFF000  }
0x77: {  	_ =	swait.ge [sflag:s4], $0x1000  }
0x78: {  	[sflag:s4] =	ssyncset.done $0x0  }
0x79: {  	[sflag:s4] =	ssyncadd.s32 $0xFFFFF000  }
0x7a: {  	_ =	swait.ge [sflag:s4], $0x1000  }
0x7b: {  	[sflag:s4] =	ssyncset.done $0x0  }
0x7c: {  	s16 =	sshra.s32 s11, $0x2;
	[sflag:s4] =	ssyncadd.s32 $0xFFFFF000  }
0x7d: {  	v2 =	vld [tilespmem:s16+$0x0];
	_ =	sdelay $0x3  }
0x7e: {  	v3 =	vld [tilespmem:s16+$0x280]  }
0x7f: {  	(v2sf) =	vpush v2, $0x0;
	_ =	sdelay $0x3  }
0x80: {  	(v2sf) =	vpush v3, $0x0;
	_ =	sdelay $0xa  }
0x81: {  	s17 =	spop (v2sf)  }
0x82: {  	s17 =	sand.u32 $0x7F, s17  }
0x83: {  	v2 =	vor.u32 s17, v0  }
0x84: {  	v3 =	vor.u32 s17, v1  }
0x85: {  	s26 =	spop (v2sf)  }
0x86: {  	s17 =	sand.u32 $0x7F, s26  }
0x87: {  	v4 =	vor.u32 s17, v0  }
0x88: {  	v6 =	vor.u32 s17, v1;
	v5 =	vld.idx.msk [tilespmem:v2+s19+$0x0], $0xffff  }
0x89: {  	v7 =	vld.idx.msk [tilespmem:v3+s19+$0x0], $0xffff  }
0x8a: {  	v2 =	vld.idx.msk [tilespmem:v2+s20+$0x0], $0xffff  }
0x8b: {  	s26 =	simm.s32 $0x2500;
	v3 =	vld.idx.msk [tilespmem:v3+s20+$0x0], $0xffff  }
0x8c: {  	v8 =	vld.idx.msk [tilespmem:v4+s26+$0x0], $0xffff  }
0x8d: {  	v9 =	vld.idx.msk [tilespmem:v6+s26+$0x0], $0xffff  }
0x8e: {  	v4 =	vld.idx.msk [tilespmem:v4+s22+$0x0], $0xffff  }
0x8f: {  	v6 =	vld.idx.msk [tilespmem:v6+s22+$0x0], $0xffff;
	_ =	sdelay $0x3  }
0x90: {  	v10 =	vadd.f32 v2, v5;
	v12 =	vadd.f32 v3, v7  }
0x91: {  	v11 =	vadd.f32 v4, v8;
	v13 =	vadd.f32 v6, v9;
	_ =	sdelay $0x1  }
0x92: {  	v10 =	vmul.f32 v11, v10;
	v27 =	vmul.f32 v13, v12;
	_ =	sdelay $0x1  }
0x93: {  	v10 =	vadd.f32 v27, v10;
	_ =	sdelay $0x1  }
0x94: {  	(xrf2) =	vadd.scan.msk.f32 $0xffff, v10;
	_ =	sdelay $0x3  }
0x95: {  	s18 =	sand.u32 $0x1F80, s10  }
0x96: {  	v28 =	vmov s5;
	[tilespmem:s18+$0x10500] =	vst v5  }
0x97: {  	[tilespmem:s18+$0x10510] =	vst v7;
	v5 =	vand.u32 $0xFFFFFFFC, v28  }
0x98: {  	[tilespmem:s18+$0x12500] =	vst v2;
	v2 =	vbroadcast v5, $0x0  }
0x99: {  	[tilespmem:s18+$0x12510] =	vst v3  }
0x9a: {  	[tilespmem:s18+$0x14500] =	vst v8  }
0x9b: {  	[tilespmem:s18+$0x14510] =	vst v9;
	v3, _, _ =	vpop (xrf2)  }
0x9c: {  	[tilespmem:s18+$0x16500] =	vst v4;
	v3 =	vbroadcast v3, $0xF  }
0x9d: {  	[tilespmem:s18+$0x16510] =	vst v6  }
0x9e: {  	s18 =	smin.u32 s5, $0x1FB;
	[tilespmem:v2+s30+$0x0] =	vst.idx.msk $0x1, v3  }
0x9f: {  	v2 =	vld [tilespmem:s18+$0x4];
	_ =	sdelay $0x3  }
0xa0: {  	v3 =	vld [tilespmem:s18+$0x284]  }
0xa1: {  	(v2sf) =	vpush v2, $0x0;
	_ =	sdelay $0x3  }
0xa2: {  	(v2sf) =	vpush v3, $0x0;
	_ =	sdelay $0xa  }
0xa3: {  	s18 =	spop (v2sf)  }
0xa4: {  	s17 =	sand.u32 $0xFFFFF80, s18  }
0xa5: {  	s18 =	sadd.s32 s1, s17  }
0xa6: {  	[tilespmem:s19], [sflag:$0x1] =	stream.strided.gather [hbm4b:s18+s13], $0x1000, s14, s13, $0x38;
	[tilespmem:$0x18700] =	vst v63  }
0xa7: {  	s17 =	sadd.s32 s2, s17;
	s19 =	spop (v2sf)  }
0xa8: {  	[tilespmem:s20], [sflag:$0x1] =	stream.strided.gather [hbm4b:s17+s13], $0x1000, s14, s13, $0x38;
	[tilespmem:$0x18700] =	vst v63  }
0xa9: {  	s20 =	sand.u32 $0xFFFFF80, s19  }
0xaa: {  	s18 =	sadd.s32 s3, s20  }
0xab: {  	[tilespmem:s26], [sflag:$0x1] =	stream.strided.gather [hbm4b:s18+s13], $0x1000, s14, s13, $0x38;
	[tilespmem:$0x18700] =	vst v63  }
0xac: {  	s17 =	sadd.s32 s6, s20  }
0xad: {  	[tilespmem:s22], [sflag:$0x1] =	stream.strided.gather [hbm4b:s17+s13], $0x1000, s14, s13, $0x38;
	[tilespmem:$0x18700] =	vst v63  }
0xae: {  	_ =	swait.ge [sflag:s12], $0x1000  }
0xaf: {  	[sflag:s12] =	ssyncset.done $0x0  }
0xb0: {  	[sflag:s12] =	ssyncadd.s32 $0xFFFFF000  }
0xb1: {  	_ =	swait.ge [sflag:s12], $0x1000  }
0xb2: {  	[sflag:s12] =	ssyncset.done $0x0  }
0xb3: {  	[sflag:s12] =	ssyncadd.s32 $0xFFFFF000  }
0xb4: {  	_ =	swait.ge [sflag:s12], $0x1000  }
0xb5: {  	[sflag:s12] =	ssyncset.done $0x0  }
0xb6: {  	[sflag:s12] =	ssyncadd.s32 $0xFFFFF000  }
0xb7: {  	_ =	swait.ge [sflag:s12], $0x1000  }
0xb8: {  	[sflag:s12] =	ssyncset.done $0x0  }
0xb9: {  	[sflag:s12] =	ssyncadd.s32 $0xFFFFF000  }
0xba: {  	v2 =	vld [tilespmem:s16+$0x1];
	_ =	sdelay $0x3  }
0xbb: {  	v3 =	vld [tilespmem:s16+$0x281]  }
0xbc: {  	(v2sf) =	vpush v2, $0x0;
	_ =	sdelay $0x3  }
0xbd: {  	(v2sf) =	vpush v3, $0x0;
	_ =	sdelay $0xa  }
0xbe: {  	s26 =	spop (v2sf)  }
0xbf: {  	s17 =	sand.u32 $0x7F, s26  }
0xc0: {  	v2 =	vor.u32 s17, v0  }
0xc1: {  	v3 =	vor.u32 s17, v1  }
0xc2: {  	s18 =	spop (v2sf)  }
0xc3: {  	s17 =	sand.u32 $0x7F, s18  }
0xc4: {  	v29 =	vor.u32 s17, v0  }
0xc5: {  	v31 =	vor.u32 s17, v1;
	v30 =	vld.idx.msk [tilespmem:v2+s23+$0x0], $0xffff  }
0xc6: {  	v32 =	vld.idx.msk [tilespmem:v3+s23+$0x0], $0xffff  }
0xc7: {  	v2 =	vld.idx.msk [tilespmem:v2+s24+$0x0], $0xffff  }
0xc8: {  	s20 =	simm.s32 $0x6500;
	v3 =	vld.idx.msk [tilespmem:v3+s24+$0x0], $0xffff  }
0xc9: {  	v33 =	vld.idx.msk [tilespmem:v29+s20+$0x0], $0xffff  }
0xca: {  	s26 =	simm.s32 $0x7500;
	v34 =	vld.idx.msk [tilespmem:v31+s20+$0x0], $0xffff  }
0xcb: {  	v4 =	vld.idx.msk [tilespmem:v29+s26+$0x0], $0xffff  }
0xcc: {  	v6 =	vld.idx.msk [tilespmem:v31+s26+$0x0], $0xffff;
	_ =	sdelay $0x3  }
0xcd: {  	v35 =	vadd.f32 v2, v30;
	v37 =	vadd.f32 v3, v32  }
0xce: {  	v36 =	vadd.f32 v4, v33;
	v38 =	vadd.f32 v6, v34;
	_ =	sdelay $0x1  }
0xcf: {  	v10 =	vmul.f32 v36, v35;
	v39 =	vmul.f32 v38, v37;
	_ =	sdelay $0x1  }
0xd0: {  	v10 =	vadd.f32 v39, v10;
	_ =	sdelay $0x1  }
0xd1: {  	(xrf2) =	vadd.scan.msk.f32 $0xffff, v10;
	_ =	sdelay $0x2  }
0xd2: {  	s17 =	sadd.s32 $0x20, s10  }
0xd3: {  	s18 =	sadd.s32 $0x1, s5;
	s19 =	sand.u32 $0x1FA0, s17  }
0xd4: {  	v40 =	vmov s18;
	s17 =	sand.u32 $0x1F80, s17;
	[tilespmem:s19+$0x10500] =	vst v30  }
0xd5: {  	v5 =	vand.u32 $0xFFFFFFFD, v40;
	[tilespmem:s17+$0x10530] =	vst v32  }
0xd6: {  	[tilespmem:s19+$0x12500] =	vst v2;
	v2 =	vbroadcast v5, $0x0  }
0xd7: {  	[tilespmem:s17+$0x12530] =	vst v3  }
0xd8: {  	[tilespmem:s19+$0x14500] =	vst v33  }
0xd9: {  	[tilespmem:s17+$0x14530] =	vst v34;
	v3, _, _ =	vpop (xrf2)  }
0xda: {  	[tilespmem:s19+$0x16500] =	vst v4;
	v3 =	vbroadcast v3, $0xF  }
0xdb: {  	[tilespmem:s17+$0x16530] =	vst v6  }
0xdc: {  	s19 =	smin.u32 s5, $0x1FA;
	[tilespmem:v2+s30+$0x0] =	vst.idx.msk $0x1, v3  }
0xdd: {  	v2 =	vld [tilespmem:s19+$0x5];
	_ =	sdelay $0x3  }
0xde: {  	v3 =	vld [tilespmem:s19+$0x285]  }
0xdf: {  	(v2sf) =	vpush v2, $0x0;
	_ =	sdelay $0x3  }
0xe0: {  	(v2sf) =	vpush v3, $0x0;
	_ =	sdelay $0xa  }
0xe1: {  	s18 =	spop (v2sf)  }
0xe2: {  	s17 =	sand.u32 $0xFFFFF80, s18  }
0xe3: {  	s19 =	sadd.s32 s1, s17  }
0xe4: {  	[tilespmem:s23], [sflag:$0x2] =	stream.strided.gather [hbm4b:s19+s13], $0x1000, s14, s13, $0x38;
	[tilespmem:$0x18700] =	vst v63  }
0xe5: {  	s19 =	spop (v2sf)  }
0xe6: {  	s17 =	sadd.s32 s2, s17;
	s19 =	sand.u32 $0xFFFFF80, s19  }
0xe7: {  	[tilespmem:s24], [sflag:$0x2] =	stream.strided.gather [hbm4b:s17+s13], $0x1000, s14, s13, $0x38;
	[tilespmem:$0x18700] =	vst v63  }
0xe8: {  	s18 =	sadd.s32 s3, s19  }
0xe9: {  	[tilespmem:s20], [sflag:$0x2] =	stream.strided.gather [hbm4b:s18+s13], $0x1000, s14, s13, $0x38;
	[tilespmem:$0x18700] =	vst v63  }
0xea: {  	s17 =	sadd.s32 s6, s19  }
0xeb: {  	[tilespmem:s26], [sflag:$0x2] =	stream.strided.gather [hbm4b:s17+s13], $0x1000, s14, s13, $0x38;
	[tilespmem:$0x18700] =	vst v63  }
0xec: {  	_ =	swait.ge [sflag:s7], $0x1000  }
0xed: {  	[sflag:s7] =	ssyncset.done $0x0  }
0xee: {  	[sflag:s7] =	ssyncadd.s32 $0xFFFFF000  }
0xef: {  	_ =	swait.ge [sflag:s7], $0x1000  }
0xf0: {  	[sflag:s7] =	ssyncset.done $0x0  }
0xf1: {  	[sflag:s7] =	ssyncadd.s32 $0xFFFFF000  }
0xf2: {  	_ =	swait.ge [sflag:s7], $0x1000  }
0xf3: {  	[sflag:s7] =	ssyncset.done $0x0  }
0xf4: {  	[sflag:s7] =	ssyncadd.s32 $0xFFFFF000  }
0xf5: {  	_ =	swait.ge [sflag:s7], $0x1000  }
0xf6: {  	[sflag:s7] =	ssyncset.done $0x0  }
0xf7: {  	[sflag:s7] =	ssyncadd.s32 $0xFFFFF000  }
0xf8: {  	v2 =	vld [tilespmem:s16+$0x2];
	_ =	sdelay $0x3  }
0xf9: {  	v3 =	vld [tilespmem:s16+$0x282]  }
0xfa: {  	(v2sf) =	vpush v2, $0x0;
	_ =	sdelay $0x3  }
0xfb: {  	(v2sf) =	vpush v3, $0x0;
	_ =	sdelay $0xa  }
0xfc: {  	s20 =	spop (v2sf)  }
0xfd: {  	s17 =	sand.u32 $0x7F, s20  }
0xfe: {  	v2 =	vor.u32 s17, v0  }
0xff: {  	v3 =	vor.u32 s17, v1  }
0x100: {  	s26 =	spop (v2sf)  }
0x101: {  	s17 =	sand.u32 $0x7F, s26  }
0x102: {  	v41 =	vor.u32 s17, v0  }
0x103: {  	v43 =	vor.u32 s17, v1;
	v42 =	vld.idx.msk [tilespmem:v2+s28+$0x0], $0xffff  }
0x104: {  	v44 =	vld.idx.msk [tilespmem:v3+s28+$0x0], $0xffff  }
0x105: {  	v2 =	vld.idx.msk [tilespmem:v2+s29+$0x0], $0xffff  }
0x106: {  	s20 =	simm.s32 $0xA500;
	v3 =	vld.idx.msk [tilespmem:v3+s29+$0x0], $0xffff  }
0x107: {  	v45 =	vld.idx.msk [tilespmem:v41+s20+$0x0], $0xffff  }
0x108: {  	v46 =	vld.idx.msk [tilespmem:v43+s20+$0x0], $0xffff  }
0x109: {  	v4 =	vld.idx.msk [tilespmem:v41+s31+$0x0], $0xffff  }
0x10a: {  	v6 =	vld.idx.msk [tilespmem:v43+s31+$0x0], $0xffff;
	_ =	sdelay $0x3  }
0x10b: {  	v47 =	vadd.f32 v2, v42;
	v49 =	vadd.f32 v3, v44  }
0x10c: {  	v48 =	vadd.f32 v4, v45;
	v50 =	vadd.f32 v6, v46;
	_ =	sdelay $0x1  }
0x10d: {  	v10 =	vmul.f32 v48, v47;
	v51 =	vmul.f32 v50, v49;
	_ =	sdelay $0x1  }
0x10e: {  	v10 =	vadd.f32 v51, v10;
	_ =	sdelay $0x1  }
0x10f: {  	(xrf2) =	vadd.scan.msk.f32 $0xffff, v10;
	_ =	sdelay $0x2  }
0x110: {  	s18 =	sadd.s32 $0x40, s10  }
0x111: {  	s19 =	sadd.s32 $0x2, s5;
	s26 =	sand.u32 $0x1FC0, s18  }
0x112: {  	v52 =	vmov s19;
	s17 =	sand.u32 $0x1F80, s18;
	[tilespmem:s26+$0x10500] =	vst v42  }
0x113: {  	v5 =	vand.u32 $0xFFFFFFFE, v52;
	[tilespmem:s17+$0x10550] =	vst v44  }
0x114: {  	[tilespmem:s26+$0x12500] =	vst v2;
	v2 =	vbroadcast v5, $0x0  }
0x115: {  	[tilespmem:s17+$0x12550] =	vst v3  }
0x116: {  	[tilespmem:s26+$0x14500] =	vst v45  }
0x117: {  	[tilespmem:s17+$0x14550] =	vst v46;
	v3, _, _ =	vpop (xrf2)  }
0x118: {  	[tilespmem:s26+$0x16500] =	vst v4;
	v3 =	vbroadcast v3, $0xF  }
0x119: {  	[tilespmem:s17+$0x16550] =	vst v6  }
0x11a: {  	s18 =	smin.u32 s5, $0x1F9;
	[tilespmem:v2+s30+$0x0] =	vst.idx.msk $0x1, v3  }
0x11b: {  	v2 =	vld [tilespmem:s18+$0x6];
	_ =	sdelay $0x1  }
0x11c: {  	v3 =	vld [tilespmem:s18+$0x286];
	_ =	sdelay $0x2  }
0x11d: {  	(v2sf) =	vpush v2, $0x0;
	_ =	sdelay $0x1  }
0x11e: {  	(v2sf) =	vpush v3, $0x0;
	_ =	sdelay $0xc  }
0x11f: {  	s19 =	spop (v2sf)  }
0x120: {  	s17 =	sand.u32 $0xFFFFF80, s19  }
0x121: {  	s19 =	spop (v2sf);
	s26 =	sadd.s32 s1, s17  }
0x122: {  	[tilespmem:s28], [sflag:$0x3] =	stream.strided.gather [hbm4b:s26+s13], $0x1000, s14, s13, $0x38;
	[tilespmem:$0x18700] =	vst v63  }
0x123: {  	s17 =	sadd.s32 s2, s17;
	s26 =	sand.u32 $0xFFFFF80, s19  }
0x124: {  	[tilespmem:s29], [sflag:$0x3] =	stream.strided.gather [hbm4b:s17+s13], $0x1000, s14, s13, $0x38;
	[tilespmem:$0x18700] =	vst v63  }
0x125: {  	s18 =	sadd.s32 s3, s26  }
0x126: {  	[tilespmem:s20], [sflag:$0x3] =	stream.strided.gather [hbm4b:s18+s13], $0x1000, s14, s13, $0x38;
	[tilespmem:$0x18700] =	vst v63  }
0x127: {  	s17 =	sadd.s32 s6, s26  }
0x128: {  	[tilespmem:s31], [sflag:$0x3] =	stream.strided.gather [hbm4b:s17+s13], $0x1000, s14, s13, $0x38;
	[tilespmem:$0x18700] =	vst v63  }
0x129: {  	_ =	swait.ge [sflag:s8], $0x1000  }
0x12a: {  	[sflag:s8] =	ssyncset.done $0x0  }
0x12b: {  	[sflag:s8] =	ssyncadd.s32 $0xFFFFF000  }
0x12c: {  	_ =	swait.ge [sflag:s8], $0x1000  }
0x12d: {  	[sflag:s8] =	ssyncset.done $0x0  }
0x12e: {  	[sflag:s8] =	ssyncadd.s32 $0xFFFFF000  }
0x12f: {  	_ =	swait.ge [sflag:s8], $0x1000  }
0x130: {  	[sflag:s8] =	ssyncset.done $0x0  }
0x131: {  	[sflag:s8] =	ssyncadd.s32 $0xFFFFF000  }
0x132: {  	_ =	swait.ge [sflag:s8], $0x1000  }
0x133: {  	[sflag:s8] =	ssyncset.done $0x0  }
0x134: {  	[sflag:s8] =	ssyncadd.s32 $0xFFFFF000  }
0x135: {  	v2 =	vld [tilespmem:s16+$0x3];
	_ =	sdelay $0x3  }
0x136: {  	v3 =	vld [tilespmem:s16+$0x283]  }
0x137: {  	(v2sf) =	vpush v2, $0x0;
	_ =	sdelay $0x3  }
0x138: {  	(v2sf) =	vpush v3, $0x0;
	_ =	sdelay $0xa  }
0x139: {  	s18 =	spop (v2sf)  }
0x13a: {  	s16 =	sand.u32 $0x7F, s18  }
0x13b: {  	v2 =	vor.u32 s16, v0  }
0x13c: {  	v3 =	vor.u32 s16, v1  }
0x13d: {  	s19 =	spop (v2sf)  }
0x13e: {  	s16 =	sand.u32 $0x7F, s19  }
0x13f: {  	v53 =	vor.u32 s16, v0  }
0x140: {  	v55 =	vor.u32 s16, v1;
	v54 =	vld.idx.msk [tilespmem:v2+s0+$0x0], $0xffff  }
0x141: {  	v56 =	vld.idx.msk [tilespmem:v3+s0+$0x0], $0xffff  }
0x142: {  	v2 =	vld.idx.msk [tilespmem:v2+s25+$0x0], $0xffff  }
0x143: {  	v3 =	vld.idx.msk [tilespmem:v3+s25+$0x0], $0xffff  }
0x144: {  	v57 =	vld.idx.msk [tilespmem:v53+s21+$0x0], $0xffff  }
0x145: {  	s19 =	simm.s32 $0xF500;
	v58 =	vld.idx.msk [tilespmem:v55+s21+$0x0], $0xffff  }
0x146: {  	v4 =	vld.idx.msk [tilespmem:v53+s19+$0x0], $0xffff  }
0x147: {  	v6 =	vld.idx.msk [tilespmem:v55+s19+$0x0], $0xffff;
	_ =	sdelay $0x3  }
0x148: {  	v59 =	vadd.f32 v2, v54;
	v61 =	vadd.f32 v3, v56  }
0x149: {  	v60 =	vadd.f32 v4, v57;
	v62 =	vadd.f32 v6, v58;
	_ =	sdelay $0x1  }
0x14a: {  	v10 =	vmul.f32 v60, v59;
	v63 =	vmul.f32 v62, v61;
	_ =	sdelay $0x1  }
0x14b: {  	v10 =	vadd.f32 v63, v10;
	_ =	sdelay $0x1  }
0x14c: {  	(xrf2) =	vadd.scan.msk.f32 $0xffff, v10;
	_ =	sdelay $0x2  }
0x14d: {  	s20 =	sadd.s32 $0x60, s10  }
0x14e: {  	s26 =	sand.u32 $0x1FE0, s20  }
0x14f: {  	s16 =	sand.u32 $0x1F80, s20;
	[tilespmem:s26+$0x10500] =	vst v54  }
0x150: {  	[tilespmem:s16+$0x10570] =	vst v56  }
0x151: {  	s20 =	sadd.s32 $0x3, s5;
	[tilespmem:s26+$0x12500] =	vst v2  }
0x152: {  	v2 =	vmov s20;
	[tilespmem:s16+$0x12570] =	vst v3  }
0x153: {  	[tilespmem:s26+$0x14500] =	vst v57  }
0x154: {  	[tilespmem:s16+$0x14570] =	vst v58;
	v3, _, _ =	vpop (xrf2)  }
0x155: {  	[tilespmem:s26+$0x16500] =	vst v4;
	v3 =	vbroadcast v3, $0xF  }
0x156: {  	[tilespmem:s16+$0x16570] =	vst v6  }
0x157: {  	s26 =	smin.u32 s5, $0x1F8;
	[tilespmem:v2+s30+$0x0] =	vst.idx.msk $0x1, v3  }
0x158: {  	v2 =	vld [tilespmem:s26+$0x7];
	_ =	sdelay $0x1  }
0x159: {  	v3 =	vld [tilespmem:s26+$0x287];
	_ =	sdelay $0x2  }
0x15a: {  	(v2sf) =	vpush v2, $0x0;
	_ =	sdelay $0x1  }
0x15b: {  	(v2sf) =	vpush v3, $0x0;
	_ =	sdelay $0xc  }
0x15c: {  	s17 =	spop (v2sf)  }
0x15d: {  	s16 =	sand.u32 $0xFFFFF80, s17  }
0x15e: {  	s20 =	spop (v2sf);
	s18 =	sadd.s32 s1, s16  }
0x15f: {  	[tilespmem:s0], [sflag:$0x4] =	stream.strided.gather [hbm4b:s18+s13], $0x1000, s14, s13, $0x38;
	[tilespmem:$0x18700] =	vst v63  }
0x160: {  	s16 =	sadd.s32 s2, s16;
	s26 =	sand.u32 $0xFFFFF80, s20  }
0x161: {  	[tilespmem:s25], [sflag:$0x4] =	stream.strided.gather [hbm4b:s16+s13], $0x1000, s14, s13, $0x38;
	[tilespmem:$0x18700] =	vst v63  }
0x162: {  	s17 =	sadd.s32 s3, s26  }
0x163: {  	[tilespmem:s21], [sflag:$0x4] =	stream.strided.gather [hbm4b:s17+s13], $0x1000, s14, s13, $0x38;
	[tilespmem:$0x18700] =	vst v63  }
0x164: {  	p0 =	sne.s32 s15, $0x1F;
	s15 =	rddreg [dreg:$0xb];
	s16 =	sadd.s32 s6, s26  }
0x165: {  	[tilespmem:s19], [sflag:$0x4] =	stream.strided.gather [hbm4b:s16+s13], $0x1000, s14, s13, $0x38;
	[tilespmem:$0x18700] =	vst v63  }
0x166: {  	s17 =	sand.u32 @!p0 $0x600, s11;
	s16 =	rddreg [dreg:$0xf]  }
0x167: {  	s20 =	simm.s32 @!p0 $0x0;
	s16 =	sor.u32 @!p0 s16, s17;
	s17 =	sand.u32 @!p0 $0x1000, s10  }
0x168: {  	s18 =	rddreg [dreg:$0xc];
	s15 =	sadd.s32 @!p0 s15, s16;
	s19 =	sor.u32 @!p0 $0x10500, s17  }
0x169: {  	[hbm4b:s15+s20] =	stream.linear.scatter @!p0 [tilespmem:s19], [sflag:$0x5], $0x1000, $0x38;
	[tilespmem:$0x18700] =	vst v63  }
0x16a: {  	s15 =	sadd.s32 @!p0 s18, s16;
	s18 =	sor.u32 @!p0 $0x12500, s17;
	s19 =	rddreg [dreg:$0xd]  }
0x16b: {  	[hbm4b:s15+s20] =	stream.linear.scatter @!p0 [tilespmem:s18], [sflag:$0x5], $0x1000, $0x38;
	[tilespmem:$0x18700] =	vst v63  }
0x16c: {  	s15 =	rddreg [dreg:$0xe];
	s18 =	sadd.s32 @!p0 s19, s16;
	s19 =	sor.u32 @!p0 $0x14500, s17  }
0x16d: {  	[hbm4b:s18+s20] =	stream.linear.scatter @!p0 [tilespmem:s19], [sflag:$0x5], $0x1000, $0x38;
	[tilespmem:$0x18700] =	vst v63  }
0x16e: {  	s10 =	sadd.s32 $0x80, s10;
	s15 =	sadd.s32 @!p0 s15, s16;
	s16 =	sor.u32 @!p0 $0x16500, s17  }
0x16f: {  	[hbm4b:s15+s20] =	stream.linear.scatter @!p0 [tilespmem:s16], [sflag:$0x5], $0x1000, $0x38;
	[tilespmem:$0x18700] =	vst v63  }
0x170: {  	p0 =	sne.s32 s10, $0x4000  }
.Ltmp0:
0x171: {  	_ = 	snop;
	(pc) =	sbr.rel @p0 .LBB2_2-.Ltmp0, $3  }
0x172: {  	_ =	sdelay $0x1  }
0x173: {  	s9 =	sadd.s32 $0x1, s9;
	s5 =	sadd.s32 $0x4, s5  }
0x174: {  	s11 =	sadd.s32 $0x10, s11;
	s19 =	simm.s32 $0x500;
	s20 =	simm.s32 $0x1500  }
0x175: {  	_ =	swait.ge [sflag:s4], $0x1000  }
0x176: {  	[sflag:s4] =	ssyncset.done $0x0  }
0x177: {  	[sflag:s4] =	ssyncadd.s32 $0xFFFFF000  }
0x178: {  	_ =	swait.ge [sflag:s4], $0x1000  }
0x179: {  	[sflag:s4] =	ssyncset.done $0x0  }
0x17a: {  	[sflag:s4] =	ssyncadd.s32 $0xFFFFF000  }
0x17b: {  	_ =	swait.ge [sflag:s4], $0x1000  }
0x17c: {  	[sflag:s4] =	ssyncset.done $0x0  }
0x17d: {  	[sflag:s4] =	ssyncadd.s32 $0xFFFFF000  }
0x17e: {  	_ =	swait.ge [sflag:s4], $0x1000  }
0x17f: {  	[sflag:s4] =	ssyncset.done $0x0  }
0x180: {  	[sflag:s4] =	ssyncadd.s32 $0xFFFFF000  }
0x181: {  	_ =	swait.ge [sflag:s12], $0x1000  }
0x182: {  	[sflag:s12] =	ssyncset.done $0x0  }
0x183: {  	[sflag:s12] =	ssyncadd.s32 $0xFFFFF000  }
0x184: {  	_ =	swait.ge [sflag:s12], $0x1000  }
0x185: {  	[sflag:s12] =	ssyncset.done $0x0  }
0x186: {  	[sflag:s12] =	ssyncadd.s32 $0xFFFFF000  }
0x187: {  	_ =	swait.ge [sflag:s12], $0x1000  }
0x188: {  	[sflag:s12] =	ssyncset.done $0x0  }
0x189: {  	[sflag:s12] =	ssyncadd.s32 $0xFFFFF000  }
0x18a: {  	_ =	swait.ge [sflag:s12], $0x1000  }
0x18b: {  	[sflag:s12] =	ssyncset.done $0x0  }
0x18c: {  	[sflag:s12] =	ssyncadd.s32 $0xFFFFF000  }
0x18d: {  	_ =	swait.ge [sflag:s7], $0x1000  }
0x18e: {  	[sflag:s7] =	ssyncset.done $0x0  }
0x18f: {  	[sflag:s7] =	ssyncadd.s32 $0xFFFFF000  }
0x190: {  	_ =	swait.ge [sflag:s7], $0x1000  }
0x191: {  	[sflag:s7] =	ssyncset.done $0x0  }
0x192: {  	[sflag:s7] =	ssyncadd.s32 $0xFFFFF000  }
0x193: {  	_ =	swait.ge [sflag:s7], $0x1000  }
0x194: {  	[sflag:s7] =	ssyncset.done $0x0  }
0x195: {  	[sflag:s7] =	ssyncadd.s32 $0xFFFFF000  }
0x196: {  	_ =	swait.ge [sflag:s7], $0x1000  }
0x197: {  	[sflag:s7] =	ssyncset.done $0x0  }
0x198: {  	[sflag:s7] =	ssyncadd.s32 $0xFFFFF000  }
0x199: {  	_ =	swait.ge [sflag:s8], $0x1000  }
0x19a: {  	[sflag:s8] =	ssyncset.done $0x0  }
0x19b: {  	[sflag:s8] =	ssyncadd.s32 $0xFFFFF000  }
0x19c: {  	_ =	swait.ge [sflag:s8], $0x1000  }
0x19d: {  	[sflag:s8] =	ssyncset.done $0x0  }
0x19e: {  	[sflag:s8] =	ssyncadd.s32 $0xFFFFF000  }
0x19f: {  	_ =	swait.ge [sflag:s8], $0x1000  }
0x1a0: {  	[sflag:s8] =	ssyncset.done $0x0  }
0x1a1: {  	[sflag:s8] =	ssyncadd.s32 $0xFFFFF000  }
0x1a2: {  	_ =	swait.ge [sflag:s8], $0x1000  }
0x1a3: {  	[sflag:s8] =	ssyncset.done $0x0  }
0x1a4: {  	s0 =	simm.s32 $0x5;
	[sflag:s8] =	ssyncadd.s32 $0xFFFFF000  }
0x1a5: {  	_ =	swait.ge [sflag:s0], $0x1000  }
0x1a6: {  	[sflag:s0] =	ssyncset.done $0x0  }
0x1a7: {  	[sflag:s0] =	ssyncadd.s32 $0xFFFFF000  }
0x1a8: {  	_ =	swait.ge [sflag:s0], $0x1000  }
0x1a9: {  	[sflag:s0] =	ssyncset.done $0x0  }
0x1aa: {  	[sflag:s0] =	ssyncadd.s32 $0xFFFFF000  }
0x1ab: {  	_ =	swait.ge [sflag:s0], $0x1000  }
0x1ac: {  	[sflag:s0] =	ssyncset.done $0x0  }
0x1ad: {  	[sflag:s0] =	ssyncadd.s32 $0xFFFFF000  }
0x1ae: {  	_ =	swait.ge [sflag:s0], $0x1000  }
0x1af: {  	[sflag:s0] =	ssyncset.done $0x0  }
0x1b0: {  	[sflag:s0] =	ssyncadd.s32 $0xFFFFF000  }
0x1b1: {  	_ =	swait.ge [sflag:s0], $0x1000  }
0x1b2: {  	[sflag:s0] =	ssyncset.done $0x0  }
0x1b3: {  	[sflag:s0] =	ssyncadd.s32 $0xFFFFF000  }
0x1b4: {  	_ =	swait.ge [sflag:s0], $0x1000  }
0x1b5: {  	[sflag:s0] =	ssyncset.done $0x0  }
0x1b6: {  	[sflag:s0] =	ssyncadd.s32 $0xFFFFF000  }
0x1b7: {  	_ =	swait.ge [sflag:s0], $0x1000  }
0x1b8: {  	[sflag:s0] =	ssyncset.done $0x0  }
0x1b9: {  	[sflag:s0] =	ssyncadd.s32 $0xFFFFF000  }
0x1ba: {  	_ =	swait.ge [sflag:s0], $0x1000  }
0x1bb: {  	[sflag:s0] =	ssyncset.done $0x0  }
0x1bc: {  	s5 =	simm.s32 $0x0;
	s9 =	simm.s32 $0x40;
	[sflag:s0] =	ssyncadd.s32 $0xFFFFF000  }
.LBB2_4:
0x1bd: {  	p0 =	sne.s32 s9, $0x7C0;
	v2 =	vld [tilespmem:s5+$0x18500];
	_ =	sdelay $0x4  }
0x1be: {  	v2 =	vsub.f32 $0.0e+00, v2;
	_ =	sdelay $0x1  }
0x1bf: {  	v2 =	vmul.f32 $1.442695020e+00, v2;
	_ =	sdelay $0x1  }
0x1c0: {  	(erf) = vpow2.f32 v2;
	_ =	sdelay $0x8  }
0x1c1: {  	v2 =	vpop (erf)  }
0x1c2: {  	v2 =	vadd.f32 $1.000000000e+00, v2;
	_ =	sdelay $0x1  }
0x1c3: {  	(erf) = vrcp.f32 v2;
	_ =	sdelay $0x5  }
.Ltmp1:
0x1c4: {  	(pc) =	sbr.rel @p0 .LBB2_4-.Ltmp1, $3  }
0x1c5: {  	_ =	sdelay $0x1  }
0x1c6: {  	v2 =	vpop (erf)  }
0x1c7: {  	[tilespmem:s5+$0x18500] =	vst v2;
	s5 =	sshra.s32 s9, $0x2;
	s9 =	sadd.s32 $0x40, s9  }
0x1c8: {  	v2 =	vld [tilespmem:s5+$0x18500];
	_ =	sdelay $0x4  }
0x1c9: {  	v2 =	vsub.f32 $0.0e+00, v2;
	_ =	sdelay $0x1  }
0x1ca: {  	v2 =	vmul.f32 $1.442695020e+00, v2;
	_ =	sdelay $0x1  }
0x1cb: {  	(erf) = vpow2.f32 v2;
	_ =	sdelay $0x8  }
0x1cc: {  	v2 =	vpop (erf)  }
0x1cd: {  	v2 =	vadd.f32 $1.000000000e+00, v2;
	_ =	sdelay $0x1  }
0x1ce: {  	(erf) = vrcp.f32 v2;
	_ =	sdelay $0x8  }
0x1cf: {  	s15 =	simm.s32 $0x0;
	v2 =	vpop (erf)  }
0x1d0: {  	s25 =	rddreg [dreg:$0x12];
	s0 =	simm.s32 $0x18500;
	s9 =	simm.s32 $0x6;
	[tilespmem:s5+$0x18500] =	vst v2  }
0x1d1: {  	[hbm4b:s25+s15] =	stream.linear.scatter [tilespmem:s0], [sflag:$0x6], $0x200, $0x38;
	[tilespmem:$0x18700] =	vst v63  }
0x1d2: {  	_ =	swait.ge [sflag:s9], $0x200  }
0x1d3: {  	s10 =	rddreg [dreg:$0x14]  }
0x1d4: {  	s11 =	simm.s32 $0x2500;
	s26 =	rddreg [dreg:$0x13];
	s10 =	sadd.s32 $0x1, s10  }
0x1d5: {  	s16 =	simm.s32 $0x3500;
	s17 =	simm.s32 $0x4500;
	p0 =	sne.s32 s10, s26  }
.Ltmp2:
0x1d6: {  	s18 =	simm.s32 $0x5500;
	s21 =	simm.s32 $0x6500;
	(pc) =	sbr.rel @p0 .LBB2_1-.Ltmp2, $4  }
0x1d7: {  	s22 =	simm.s32 $0x7500;
	s23 =	simm.s32 $0x8500;
	s24 =	simm.s32 $0x9500  }
0x1d8: {  	s28 =	smov.u32 s6;
	s6 =	simm.s32 $0xD500;
	s29 =	simm.s32 $0xE500  }
0x1d9: {  	s31 =	simm.s32 $0xF500;
	s25 =	simm.s32 $0xA500;
	[sflag:s9] =	ssyncset.done $0x0  }
0x1da: {  	s0 =	simm.s32 $0xC500;
	[sflag:s9] =	ssyncadd.s32 $0xFFFFFE00;
	s26 =	simm.s32 $0xB500  }
0x1db: {  	_ =	sfence.sel $0x180000  }
0x1dc: {  	[bflag:$0x0] =	sbarrier.arrive $0xFFFF  }
0x1dd: {  	_ =	strace $0x90000047  }
0x1de: {  	s0 =	stileid.u32;
	[bflag:$0x2] =	sbarrier.arrive $0xFFFF  }
0x1df: {  	p0 =	sne.s32 s0, $0x0;
	s0 =	rddreg [dreg:$0xa]  }
0x1e0: {  	s0 =	sadd.s32 @!p0 $0x100000, s0  }
0x1e1: {  	[sflag:s0] =	ssyncadd.tile.s32 @!p0 $0x1;
	_ =	shalt  }
.Lfunc_end2:
_tile_overlayer_lowered:
.L_overlay_start_2:
0x1e2: {  	(tag) =	ssettag $0x2  }
0x1e3: {  	s0 =	rddreg [dreg:$0x0];
	s2 =	stileid.u32  }
0x1e4: {  	s1 =	rddreg [dreg:$0x1];
	p0 =	sne.s32 s2, $0x0  }
0x1e5: {  	s3 =	rddreg [dreg:$0x2];
	[bflag:$0x3] =	sbarrier.arrive $0xFFFF;
	s2 =	simm.s32 @!p0 $0x1C06  }
0x1e6: {  	[timem:s3], [sflag:s2] =	dma.local @!p0 [hbm:s0], s1  }
0x1e7: {  	s0 =	simm.s32 @!p0 $0x6  }
0x1e8: {  	_ =	swait.ge @!p0 [sflag:s0], s1  }
0x1e9: {  	s1 =	ssub.s32 @!p0 $0x0, s1;
	[sflag:s0] =	ssyncset.done @!p0 $0x0  }
0x1ea: {  	[sflag:s0] =	ssyncadd.s32 @!p0 s1  }
0x1eb: {  	[bflag:$0x3] =	sbarrier.arrive $0xFFFF  }
0x1ec: {  	_ =	shalt  }

</sc_bundles>
